<compile_context>
chip_gen: v7x
topology: tpu7x:2x2x1
jax: 0.10.2.dev20260603
libtpu: 0.0.44.dev20260713+nightly
codegen_flags: <defaults>
</compile_context>

<pallas_src>
import functools

import jax
import jax.numpy as jnp
from jax.experimental import pallas as pl
from jax.experimental.pallas import tpu as pltpu
from jax.experimental.pallas import tpu_sc as plsc

BATCH = 4096
MAX_LEN = 200
EMBED_DIM = 32
NUM_IDX = BATCH * MAX_LEN
WINDOW = 128
GATHERS_PER_BODY = 8
BLOCK = WINDOW * GATHERS_PER_BODY

T4 = MAX_LEN // 4
BB = BATCH // 128


VOCAB = 1000000
VP = 1 << 20
GS = VP // 4
NB = GS // 128
LAST_BLK = (VOCAB - 1) // 128


def _table_relayout_tc(tt):

    def body(t0, t1, t2, t3, o_ref):
        xs = [t0[...], t1[...], t2[...], t3[...]]
        for g in range(16):
            stacked = jnp.concatenate(
                [x[:, 128 * g : 128 * (g + 1)] for x in xs], axis=0
            )
            o_ref[pl.ds(128 * g, 128), :] = stacked.T

    nb2 = GS // 2048
    last2 = (VOCAB - 1) // 2048

    def imap(p):
        return lambda i: (0, jnp.minimum(p * nb2 + i, last2))

    return pl.pallas_call(
        body,
        grid=(nb2,),
        in_specs=[pl.BlockSpec((32, 2048), imap(p)) for p in range(4)],
        out_specs=pl.BlockSpec((2048, 128), lambda i: (i, 0)),
        out_shape=jax.ShapeDtypeStruct((GS, 128), jnp.float32),
    )(tt, tt, tt, tt)


def _gather_sc(table, idx_flat):
    mesh = plsc.VectorSubcoreMesh(core_axis_name="c", subcore_axis_name="s")

    @functools.partial(
        pl.kernel,
        out_type=jax.ShapeDtypeStruct((NUM_IDX, EMBED_DIM), table.dtype),
        mesh=mesh,
        scratch_types=[pltpu.SemaphoreType.DMA],
        compiler_params=pltpu.CompilerParams(use_tc_tiling_on_sc=False),
    )
    def gather_kernel(table_hbm, idx_hbm, out_hbm, sem):
        def body(i_vmem, o_vmem):
            copies = [
                pltpu.async_copy(
                    table_hbm.at[i_vmem.at[0, pl.ds(k * WINDOW, WINDOW)]],
                    o_vmem.at[pl.ds(k * WINDOW, WINDOW)],
                    sem,
                )
                for k in range(GATHERS_PER_BODY)
            ]
            for c in copies:
                c.wait()

        pltpu.emit_pipeline(
            body,
            grid=(NUM_IDX // BLOCK,),
            in_specs=[
                pl.BlockSpec((1, BLOCK), index_map=lambda i: (0, i)),
            ],
            out_specs=[
                pl.BlockSpec((BLOCK, EMBED_DIM), index_map=lambda i: (i, 0)),
            ],
            core_axis_name=("c", "s"),
            dimension_semantics=(pltpu.PARALLEL,),
        )(idx_hbm, out_hbm)

    return gather_kernel(table, idx_flat)


def _relayout_tc(x128):

    def body(x_ref, o_ref):
        x = x_ref[...]
        x3 = x.reshape(128, T4, 128)
        for t4 in range(T4):
            y = x3[:, t4, :].T
            o_ref[pl.ds(4 * t4, 4), :, 0, :, :] = y.reshape(4, 4, 8, 128)

    return pl.pallas_call(
        body,
        grid=(BB,),
        in_specs=[pl.BlockSpec((128 * T4, 128), lambda i: (i, 0))],
        out_specs=pl.BlockSpec(
            (MAX_LEN, 4, 1, 8, 128), lambda i: (0, 0, i, 0, 0)
        ),
        out_shape=jax.ShapeDtypeStruct(
            (MAX_LEN, 4, BB, 8, 128), jnp.float32
        ),
    )(x128)


def kernel(inputs, table):
    idx = inputs.reshape(1, NUM_IDX).astype(jnp.int32)
    idx_flat = (idx % GS) * 4 + idx // GS
    tt = jnp.swapaxes(table, 0, 1)
    table4 = _table_relayout_tc(tt).reshape(VP, 32)
    rows = _gather_sc(table4, idx_flat)
    d = _relayout_tc(rows.reshape(NUM_IDX // 4, 128))
    return d.transpose(2, 4, 0, 1, 3).reshape(BATCH, MAX_LEN, EMBED_DIM)

# --- scband reference (transcript-rebuilt; emitter-appended) ---
"""Pipeline reference for scband-embedding-layer-32049045963213 (READ-ONLY COPY).

The authoritative reference and input builder live on the scoring server;
editing this copy changes nothing except your own understanding.
"""

import jax, jax.numpy as jnp
import numpy as np

VOCAB = 1000000
EMBED_DIM = 32
BATCH = 4096
MAX_LEN = 200

def setup_inputs(seed: int = 0) -> dict:
    key = jax.random.key(seed)
    k_idx, k_tab = jax.random.split(key)
    inputs = jax.random.randint(k_idx, (BATCH, MAX_LEN), 0, VOCAB, dtype=jnp.int64 if jax.config.jax_enable_x64 else jnp.int32)
    table = jax.random.normal(k_tab, (VOCAB, EMBED_DIM), dtype=jnp.float32) * 0.02
    return {"inputs": inputs, "table": table}

def reference(inputs, table):
    # keras.layers.Embedding: output = table[inputs]
    # mask_zero=True only attaches a mask; the forward values are a plain gather.
    out = jnp.take(table, inputs, axis=0)
    return out

if __name__ == "__main__":
    import jax
    _d = setup_inputs()
    print(jax.jit(kernel)(*tuple(_d.values())))

</pallas_src>

<mosaic_0001>
#map = affine_map<(d0, d1) -> (0, 0)>
module attributes {stable_mosaic.version = 14 : i64} {
  func.func @gather_kernel(%arg0: i32, %arg1: i32, %arg2: memref<1048576x32xf32, #tpu.memory_space<hbm>>, %arg3: memref<1x819200xi32, #tpu.memory_space<hbm>>, %arg4: memref<819200x32xf32, #tpu.memory_space<hbm>>, %arg5: memref<!tpu.dma_semaphore, #tpu.memory_space<semaphore_mem>>) attributes {dimension_semantics = [#tpu.dimension_semantics<core_parallel>, #tpu.dimension_semantics<subcore_parallel>], iteration_bounds = array<i64: 2, 16>, scalar_prefetch = 0 : i64, scratch_operands = 1 : i64, tpu.core_type = #tpu.core_type<sc_vector_subcore>, window_params = [{transform_indices = #map}, {transform_indices = #map}, {transform_indices = #map}]} {
    %mul3A = arith.constant 1 : i32
    %mul3A_0 = arith.muli %arg1, %mul3A : i32
    %add3A = arith.constant 0 : i32
    %add3A_1 = arith.addi %add3A, %mul3A_0 : i32
    %mul3A_2 = arith.constant 16 : i32
    %mul3A_3 = arith.muli %arg0, %mul3A_2 : i32
    %add3A_4 = arith.addi %add3A_1, %mul3A_3 : i32
    %mul3A_5 = arith.constant 25 : i32
    %mul3A_6 = arith.muli %add3A_4, %mul3A_5 : i32
    "tpu.region"() ({
      %run_scoped3A = memref.alloca() : memref<2x1x1024xi32, #tpu.memory_space<vmem>>
      %run_scoped3A_7 = tpu.sem_alloc : memref<2x!tpu.dma_semaphore, #tpu.memory_space<semaphore_mem>>
      %run_scoped3A_8 = memref.alloca() : memref<2x1024x32xf32, #tpu.memory_space<vmem>>
      %run_scoped3A_9 = tpu.sem_alloc : memref<2x!tpu.dma_semaphore, #tpu.memory_space<semaphore_mem>>
      %add3A_10 = arith.constant 0 : i32
      %add3A_11 = arith.addi %add3A_10, %mul3A_6 : i32
      %select_n3A = arith.constant true
      %select_n3A_12 = arith.constant 0 : i32
      %select_n3A_13 = arith.constant -1 : i32
      %select_n3A_14 = arith.select %select_n3A, %select_n3A_13, %select_n3A_12 : i32
      %eq3A = arith.constant -1 : i32
      %eq3A_15 = arith.cmpi eq, %select_n3A_14, %eq3A : i32
      %select_n3A_16 = arith.constant 24 : i32
      %select_n3A_17 = arith.select %eq3A_15, %select_n3A_16, %select_n3A_14 : i32
      %add3A_18 = arith.addi %select_n3A_17, %mul3A_6 : i32
      %select_n3A_19 = arith.constant true
      %select_n3A_20 = arith.constant 0 : i32
      %select_n3A_21 = arith.constant 1 : i32
      %select_n3A_22 = arith.select %select_n3A_19, %select_n3A_21, %select_n3A_20 : i32
      %eq3A_23 = arith.constant 25 : i32
      %eq3A_24 = arith.cmpi eq, %select_n3A_22, %eq3A_23 : i32
      %select_n3A_25 = arith.constant 0 : i32
      %select_n3A_26 = arith.select %eq3A_24, %select_n3A_25, %select_n3A_22 : i32
      %add3A_27 = arith.addi %select_n3A_26, %mul3A_6 : i32
      %add3A_28 = arith.constant 1 : i32
      %add3A_29 = arith.addi %select_n3A_26, %add3A_28 : i32
      %select_n3A_30 = arith.constant true
      %select_n3A_31 = arith.select %select_n3A_30, %add3A_29, %select_n3A_26 : i32
      %eq3A_32 = arith.constant 25 : i32
      %eq3A_33 = arith.cmpi eq, %select_n3A_31, %eq3A_32 : i32
      %select_n3A_34 = arith.constant 0 : i32
      %select_n3A_35 = arith.select %eq3A_33, %select_n3A_34, %select_n3A_31 : i32
      %add3A_36 = arith.addi %select_n3A_35, %mul3A_6 : i32
      "tpu.trace_start"() <{level = 10 : i32, message = "ep_initialize_0"}> : () -> ()
      %rem3A = arith.constant 0 : i32
      %rem3A_37 = arith.constant 2 : i32
      %rem3A_38 = arith.remui %rem3A, %rem3A_37 : i32
      %mul3A_39 = arith.constant 1024 : i32
      %mul3A_40 = arith.muli %mul3A_39, %add3A_11 : i32
      %dma_start3A = arith.constant 0 : i32
      %dma_start3A_41 = arith.constant 0 : i32
      %dma_start3A_42 = tpu.memref_slice %run_scoped3A[%rem3A_38, %dma_start3A, %dma_start3A_41] : memref<2x1x1024xi32, #tpu.memory_space<vmem>> -> memref<1x1x1024xi32, #tpu.memory_space<vmem>>
      %dma_start3A_43 = tpu.memref_squeeze %dma_start3A_42 : memref<1x1x1024xi32, #tpu.memory_space<vmem>> -> memref<1x1024xi32, #tpu.memory_space<vmem>>
      %dma_start3A_44 = arith.constant 0 : i32
      %dma_start3A_45 = tpu.memref_slice %arg3[%dma_start3A_44, %mul3A_40] : memref<1x819200xi32, #tpu.memory_space<hbm>> -> memref<1x1024xi32, #tpu.memory_space<hbm>>
      %dma_start3A_46 = tpu.memref_slice %run_scoped3A_7[%rem3A_38] : memref<2x!tpu.dma_semaphore, #tpu.memory_space<semaphore_mem>> -> memref<1x!tpu.dma_semaphore, #tpu.memory_space<semaphore_mem>>
      %dma_start3A_47 = tpu.memref_squeeze %dma_start3A_46 : memref<1x!tpu.dma_semaphore, #tpu.memory_space<semaphore_mem>> -> memref<!tpu.dma_semaphore, #tpu.memory_space<semaphore_mem>>
      %dma_start3A_48 = arith.constant 0 : i32
      %dma_start3A_49 = arith.constant 0 : i32
      %dma_start3A_50 = tpu.memref_slice %run_scoped3A[%rem3A_38, %dma_start3A_48, %dma_start3A_49] : memref<2x1x1024xi32, #tpu.memory_space<vmem>> -> memref<1x1x1024xi32, #tpu.memory_space<vmem>>
      %dma_start3A_51 = tpu.memref_squeeze %dma_start3A_50 : memref<1x1x1024xi32, #tpu.memory_space<vmem>> -> memref<1x1024xi32, #tpu.memory_space<vmem>>
      %dma_start3A_52 = arith.constant 0 : i32
      %dma_start3A_53 = tpu.memref_slice %arg3[%dma_start3A_52, %mul3A_40] : memref<1x819200xi32, #tpu.memory_space<hbm>> -> memref<1x1024xi32, #tpu.memory_space<hbm>>
      tpu.enqueue_dma source(%dma_start3A_53 : memref<1x1024xi32, #tpu.memory_space<hbm>>) target(%dma_start3A_51 : memref<1x1024xi32, #tpu.memory_space<vmem>>) target_semaphore(%dma_start3A_47 : memref<!tpu.dma_semaphore, #tpu.memory_space<semaphore_mem>>)
      %add3A_54 = arith.constant 0 : i32
      %add3A_55 = arith.constant 1 : i32
      %add3A_56 = arith.addi %add3A_54, %add3A_55 : i32
      %select_n3A_57 = arith.constant true
      %select_n3A_58 = arith.constant 0 : i32
      %select_n3A_59 = arith.select %select_n3A_57, %add3A_56, %select_n3A_58 : i32
      "tpu.trace_stop"() : () -> ()
      %scan3A = arith.constant 0 : i32
      %scan3A_60 = arith.constant 0 : i32
      %scan3A_61 = arith.constant 0 : i32
      %scan3A_62 = arith.constant 0 : i32
      %scan3A_63 = arith.constant 0 : i32
      %scan3A_64 = arith.constant 25 : i32
      %scan3A_65 = arith.addi %scan3A_63, %scan3A_64 : i32
      %scan3A_66 = arith.constant 1 : i32
      %scan3A_67:5 = scf.for %scan3A_121 = %scan3A_63 to %scan3A_65 step %scan3A_66 iter_args(%scan3A_122 = %select_n3A_59, %scan3A_123 = %scan3A, %scan3A_124 = %scan3A_60, %scan3A_125 = %scan3A_61, %scan3A_126 = %scan3A_62) -> (i32, i32, i32, i32, i32)  : i32 {
        %eq3A_127 = arith.constant 0 : i32
        %eq3A_128 = arith.cmpi eq, %scan3A_121, %eq3A_127 : i32
        %eq3A_129 = arith.constant 24 : i32
        %eq3A_130 = arith.cmpi eq, %scan3A_121, %eq3A_129 : i32
        %add3A_131 = arith.addi %scan3A_126, %mul3A_6 : i32
        %sub3A_132 = arith.constant 1 : i32
        %sub3A_133 = arith.subi %scan3A_126, %sub3A_132 : i32
        %select_n3A_134 = arith.constant true
        %select_n3A_135 = arith.select %select_n3A_134, %sub3A_133, %scan3A_126 : i32
        %eq3A_136 = arith.constant -1 : i32
        %eq3A_137 = arith.cmpi eq, %select_n3A_135, %eq3A_136 : i32
        %select_n3A_138 = arith.constant 24 : i32
        %select_n3A_139 = arith.select %eq3A_137, %select_n3A_138, %select_n3A_135 : i32
        %add3A_140 = arith.addi %select_n3A_139, %mul3A_6 : i32
        %add3A_141 = arith.constant 1 : i32
        %add3A_142 = arith.addi %scan3A_126, %add3A_141 : i32
        %select_n3A_143 = arith.constant true
        %select_n3A_144 = arith.select %select_n3A_143, %add3A_142, %scan3A_126 : i32
        %eq3A_145 = arith.constant 25 : i32
        %eq3A_146 = arith.cmpi eq, %select_n3A_144, %eq3A_145 : i32
        %select_n3A_147 = arith.constant 0 : i32
        %select_n3A_148 = arith.select %eq3A_146, %select_n3A_147, %select_n3A_144 : i32
        %add3A_149 = arith.addi %select_n3A_148, %mul3A_6 : i32
        %add3A_150 = arith.constant 1 : i32
        %add3A_151 = arith.addi %select_n3A_148, %add3A_150 : i32
        %select_n3A_152 = arith.constant true
        %select_n3A_153 = arith.select %select_n3A_152, %add3A_151, %select_n3A_148 : i32
        %eq3A_154 = arith.constant 25 : i32
        %eq3A_155 = arith.cmpi eq, %select_n3A_153, %eq3A_154 : i32
        %select_n3A_156 = arith.constant 0 : i32
        %select_n3A_157 = arith.select %eq3A_155, %select_n3A_156, %select_n3A_153 : i32
        %add3A_158 = arith.addi %select_n3A_157, %mul3A_6 : i32
        %ne3A = arith.cmpi ne, %add3A_131, %add3A_149 : i32
        %or3A = arith.constant false
        %or3A_159 = arith.ori %or3A, %ne3A : i1
        %ge3A = arith.constant 24 : i32
        %ge3A_160 = arith.cmpi sge, %scan3A_121, %ge3A : i32
        %not3A = arith.constant true
        %not3A_161 = arith.xori %ge3A_160, %not3A : i1
        %and3A = arith.andi %or3A_159, %not3A_161 : i1
        %convert_element_type3A = arith.extui %and3A : i1 to i32
        %cond3A = arith.constant 0 : i32
        %cond3A_162 = arith.cmpi ne, %convert_element_type3A, %cond3A : i32
        scf.if %cond3A_162 {
          "tpu.trace_start"() <{level = 10 : i32, message = "ep_copy_in"}> : () -> ()
          %rem3A_551 = arith.constant 2 : i32
          %rem3A_552 = arith.remui %scan3A_122, %rem3A_551 : i32
          %mul3A_553 = arith.constant 1024 : i32
          %mul3A_554 = arith.muli %mul3A_553, %add3A_149 : i32
          %dma_start3A_555 = arith.constant 0 : i32
          %dma_start3A_556 = arith.constant 0 : i32
          %dma_start3A_557 = tpu.memref_slice %run_scoped3A[%rem3A_552, %dma_start3A_555, %dma_start3A_556] : memref<2x1x1024xi32, #tpu.memory_space<vmem>> -> memref<1x1x1024xi32, #tpu.memory_space<vmem>>
          %dma_start3A_558 = tpu.memref_squeeze %dma_start3A_557 : memref<1x1x1024xi32, #tpu.memory_space<vmem>> -> memref<1x1024xi32, #tpu.memory_space<vmem>>
          %dma_start3A_559 = arith.constant 0 : i32
          %dma_start3A_560 = tpu.memref_slice %arg3[%dma_start3A_559, %mul3A_554] : memref<1x819200xi32, #tpu.memory_space<hbm>> -> memref<1x1024xi32, #tpu.memory_space<hbm>>
          %dma_start3A_561 = tpu.memref_slice %run_scoped3A_7[%rem3A_552] : memref<2x!tpu.dma_semaphore, #tpu.memory_space<semaphore_mem>> -> memref<1x!tpu.dma_semaphore, #tpu.memory_space<semaphore_mem>>
          %dma_start3A_562 = tpu.memref_squeeze %dma_start3A_561 : memref<1x!tpu.dma_semaphore, #tpu.memory_space<semaphore_mem>> -> memref<!tpu.dma_semaphore, #tpu.memory_space<semaphore_mem>>
          %dma_start3A_563 = arith.constant 0 : i32
          %dma_start3A_564 = arith.constant 0 : i32
          %dma_start3A_565 = tpu.memref_slice %run_scoped3A[%rem3A_552, %dma_start3A_563, %dma_start3A_564] : memref<2x1x1024xi32, #tpu.memory_space<vmem>> -> memref<1x1x1024xi32, #tpu.memory_space<vmem>>
          %dma_start3A_566 = tpu.memref_squeeze %dma_start3A_565 : memref<1x1x1024xi32, #tpu.memory_space<vmem>> -> memref<1x1024xi32, #tpu.memory_space<vmem>>
          %dma_start3A_567 = arith.constant 0 : i32
          %dma_start3A_568 = tpu.memref_slice %arg3[%dma_start3A_567, %mul3A_554] : memref<1x819200xi32, #tpu.memory_space<hbm>> -> memref<1x1024xi32, #tpu.memory_space<hbm>>
          tpu.enqueue_dma source(%dma_start3A_568 : memref<1x1024xi32, #tpu.memory_space<hbm>>) target(%dma_start3A_566 : memref<1x1024xi32, #tpu.memory_space<vmem>>) target_semaphore(%dma_start3A_562 : memref<!tpu.dma_semaphore, #tpu.memory_space<semaphore_mem>>)
          "tpu.trace_stop"() : () -> ()
        } else {
        }
        %and3A_163 = arith.constant true
        %and3A_164 = arith.andi %and3A, %and3A_163 : i1
        %add3A_165 = arith.constant 1 : i32
        %add3A_166 = arith.addi %scan3A_122, %add3A_165 : i32
        %select_n3A_167 = arith.select %and3A_164, %add3A_166, %scan3A_122 : i32
        %ne3A_168 = arith.cmpi ne, %add3A_131, %add3A_149 : i32
        %or3A_169 = arith.constant false
        %or3A_170 = arith.ori %or3A_169, %ne3A_168 : i1
        %or3A_171 = arith.constant false
        %or3A_172 = arith.ori %or3A_170, %or3A_171 : i1
        %ge3A_173 = arith.constant 24 : i32
        %ge3A_174 = arith.cmpi sge, %scan3A_121, %ge3A_173 : i32
        %not3A_175 = arith.constant true
        %not3A_176 = arith.xori %ge3A_174, %not3A_175 : i1
        %and3A_177 = arith.andi %or3A_172, %not3A_176 : i1
        %ne3A_178 = arith.cmpi ne, %add3A_131, %add3A_140 : i32
        %or3A_179 = arith.constant false
        %or3A_180 = arith.ori %or3A_179, %ne3A_178 : i1
        %or3A_181 = arith.ori %or3A_180, %eq3A_128 : i1
        %convert_element_type3A_182 = arith.extui %or3A_181 : i1 to i32
        %cond3A_183 = arith.constant 0 : i32
        %cond3A_184 = arith.cmpi ne, %convert_element_type3A_182, %cond3A_183 : i32
        scf.if %cond3A_184 {
          "tpu.trace_start"() <{level = 10 : i32, message = "ep_wait_in"}> : () -> ()
          %mul3A_551 = arith.constant 1024 : i32
          %mul3A_552 = arith.muli %mul3A_551, %add3A_131 : i32
          %rem3A_553 = arith.constant 2 : i32
          %rem3A_554 = arith.remui %scan3A_123, %rem3A_553 : i32
          %dma_wait3A_555 = arith.constant 0 : i32
          %dma_wait3A_556 = arith.constant 0 : i32
          %dma_wait3A_557 = tpu.memref_slice %run_scoped3A[%rem3A_554, %dma_wait3A_555, %dma_wait3A_556] : memref<2x1x1024xi32, #tpu.memory_space<vmem>> -> memref<1x1x1024xi32, #tpu.memory_space<vmem>>
          %dma_wait3A_558 = tpu.memref_squeeze %dma_wait3A_557 : memref<1x1x1024xi32, #tpu.memory_space<vmem>> -> memref<1x1024xi32, #tpu.memory_space<vmem>>
          %dma_wait3A_559 = arith.constant 0 : i32
          %dma_wait3A_560 = tpu.memref_slice %arg3[%dma_wait3A_559, %mul3A_552] : memref<1x819200xi32, #tpu.memory_space<hbm>> -> memref<1x1024xi32, #tpu.memory_space<hbm>>
          %dma_wait3A_561 = tpu.memref_slice %run_scoped3A_7[%rem3A_554] : memref<2x!tpu.dma_semaphore, #tpu.memory_space<semaphore_mem>> -> memref<1x!tpu.dma_semaphore, #tpu.memory_space<semaphore_mem>>
          %dma_wait3A_562 = tpu.memref_squeeze %dma_wait3A_561 : memref<1x!tpu.dma_semaphore, #tpu.memory_space<semaphore_mem>> -> memref<!tpu.dma_semaphore, #tpu.memory_space<semaphore_mem>>
          %dma_wait3A_563 = arith.constant 0 : i32
          %dma_wait3A_564 = arith.constant 0 : i32
          %dma_wait3A_565 = tpu.memref_slice %run_scoped3A[%rem3A_554, %dma_wait3A_563, %dma_wait3A_564] : memref<2x1x1024xi32, #tpu.memory_space<vmem>> -> memref<1x1x1024xi32, #tpu.memory_space<vmem>>
          %dma_wait3A_566 = tpu.memref_squeeze %dma_wait3A_565 : memref<1x1x1024xi32, #tpu.memory_space<vmem>> -> memref<1x1024xi32, #tpu.memory_space<vmem>>
          %dma_wait3A_567 = arith.constant 0 : i32
          %dma_wait3A_568 = tpu.memref_slice %arg3[%dma_wait3A_567, %mul3A_552] : memref<1x819200xi32, #tpu.memory_space<hbm>> -> memref<1x1024xi32, #tpu.memory_space<hbm>>
          tpu.wait_dma2 semaphore(%dma_wait3A_562 : memref<!tpu.dma_semaphore, #tpu.memory_space<semaphore_mem>>) src(%dma_wait3A_568 : memref<1x1024xi32, #tpu.memory_space<hbm>>) dst(%dma_wait3A_566 : memref<1x1024xi32, #tpu.memory_space<vmem>>)
          "tpu.trace_stop"() : () -> ()
        } else {
        }
        %ne3A_185 = arith.cmpi ne, %add3A_131, %add3A_140 : i32
        %or3A_186 = arith.constant false
        %or3A_187 = arith.ori %or3A_186, %ne3A_185 : i1
        %or3A_188 = arith.constant false
        %or3A_189 = arith.ori %or3A_187, %or3A_188 : i1
        %or3A_190 = arith.ori %or3A_189, %eq3A_128 : i1
        %convert_element_type3A_191 = arith.extui %or3A_190 : i1 to i32
        %cond3A_192 = arith.constant 0 : i32
        %cond3A_193 = arith.cmpi ne, %convert_element_type3A_191, %cond3A_192 : i32
        scf.if %cond3A_193 {
        } else {
        }
        %rem3A_194 = arith.constant 2 : i32
        %rem3A_195 = arith.remui %scan3A_123, %rem3A_194 : i32
        %rem3A_196 = arith.constant 2 : i32
        %rem3A_197 = arith.remui %scan3A_124, %rem3A_196 : i32
        %dma_start3A_198 = arith.constant 0 : i32
        "tpu.trace_start"() <{level = 10 : i32, message = "ep_run_kernel"}> : () -> ()
        %dma_start3A_199 = arith.constant 0 : i32
        %dma_start3A_200 = arith.constant 0 : i32
        %dma_start3A_201 = tpu.memref_slice %run_scoped3A_8[%rem3A_197, %dma_start3A_199, %dma_start3A_200] : memref<2x1024x32xf32, #tpu.memory_space<vmem>> -> memref<1x1024x32xf32, #tpu.memory_space<vmem>>
        %dma_start3A_202 = tpu.memref_squeeze %dma_start3A_201 : memref<1x1024x32xf32, #tpu.memory_space<vmem>> -> memref<1024x32xf32, #tpu.memory_space<vmem>>
        %dma_start3A_203 = arith.constant 0 : i32
        %dma_start3A_204 = arith.constant 0 : i32
        %dma_start3A_205 = tpu.memref_slice %dma_start3A_202[%dma_start3A_203, %dma_start3A_204] : memref<1024x32xf32, #tpu.memory_space<vmem>> -> memref<128x32xf32, #tpu.memory_space<vmem>>
        %dma_start3A_206 = arith.constant 0 : i32
        %dma_start3A_207 = arith.constant 0 : i32
        %dma_start3A_208 = tpu.memref_slice %run_scoped3A[%rem3A_195, %dma_start3A_206, %dma_start3A_207] : memref<2x1x1024xi32, #tpu.memory_space<vmem>> -> memref<1x1x1024xi32, #tpu.memory_space<vmem>>
        %dma_start3A_209 = tpu.memref_squeeze %dma_start3A_208 : memref<1x1x1024xi32, #tpu.memory_space<vmem>> -> memref<1x1024xi32, #tpu.memory_space<vmem>>
        %dma_start3A_210 = arith.constant 0 : i32
        %dma_start3A_211 = tpu.memref_slice %dma_start3A_209[%dma_start3A_198, %dma_start3A_210] : memref<1x1024xi32, #tpu.memory_space<vmem>> -> memref<1x128xi32, #tpu.memory_space<vmem>>
        %dma_start3A_212 = tpu.memref_squeeze %dma_start3A_211 : memref<1x128xi32, #tpu.memory_space<vmem>> -> memref<128xi32, #tpu.memory_space<vmem>>
        %dma_start3A_213 = arith.constant 0 : i32
        %dma_start3A_214 = arith.constant 0 : i32
        %dma_start3A_215 = tpu.memref_slice %arg2[%dma_start3A_213, %dma_start3A_214] : memref<1048576x32xf32, #tpu.memory_space<hbm>> -> memref<1048576x32xf32, #tpu.memory_space<hbm>>
        tpu.enqueue_indirect_dma source(%dma_start3A_215 : memref<1048576x32xf32, #tpu.memory_space<hbm>>) target(%dma_start3A_205 : memref<128x32xf32, #tpu.memory_space<vmem>>) offsets(%dma_start3A_212 : memref<128xi32, #tpu.memory_space<vmem>>) semaphore(%arg5 : memref<!tpu.dma_semaphore, #tpu.memory_space<semaphore_mem>>)
        %dma_start3A_216 = arith.constant 0 : i32
        %dma_start3A_217 = arith.constant 0 : i32
        %dma_start3A_218 = arith.constant 0 : i32
        %dma_start3A_219 = tpu.memref_slice %run_scoped3A_8[%rem3A_197, %dma_start3A_217, %dma_start3A_218] : memref<2x1024x32xf32, #tpu.memory_space<vmem>> -> memref<1x1024x32xf32, #tpu.memory_space<vmem>>
        %dma_start3A_220 = tpu.memref_squeeze %dma_start3A_219 : memref<1x1024x32xf32, #tpu.memory_space<vmem>> -> memref<1024x32xf32, #tpu.memory_space<vmem>>
        %dma_start3A_221 = arith.constant 128 : i32
        %dma_start3A_222 = arith.constant 0 : i32
        %dma_start3A_223 = tpu.memref_slice %dma_start3A_220[%dma_start3A_221, %dma_start3A_222] : memref<1024x32xf32, #tpu.memory_space<vmem>> -> memref<128x32xf32, #tpu.memory_space<vmem>>
        %dma_start3A_224 = arith.constant 0 : i32
        %dma_start3A_225 = arith.constant 0 : i32
        %dma_start3A_226 = tpu.memref_slice %run_scoped3A[%rem3A_195, %dma_start3A_224, %dma_start3A_225] : memref<2x1x1024xi32, #tpu.memory_space<vmem>> -> memref<1x1x1024xi32, #tpu.memory_space<vmem>>
        %dma_start3A_227 = tpu.memref_squeeze %dma_start3A_226 : memref<1x1x1024xi32, #tpu.memory_space<vmem>> -> memref<1x1024xi32, #tpu.memory_space<vmem>>
        %dma_start3A_228 = arith.constant 128 : i32
        %dma_start3A_229 = tpu.memref_slice %dma_start3A_227[%dma_start3A_216, %dma_start3A_228] : memref<1x1024xi32, #tpu.memory_space<vmem>> -> memref<1x128xi32, #tpu.memory_space<vmem>>
        %dma_start3A_230 = tpu.memref_squeeze %dma_start3A_229 : memref<1x128xi32, #tpu.memory_space<vmem>> -> memref<128xi32, #tpu.memory_space<vmem>>
        %dma_start3A_231 = arith.constant 0 : i32
        %dma_start3A_232 = arith.constant 0 : i32
        %dma_start3A_233 = tpu.memref_slice %arg2[%dma_start3A_231, %dma_start3A_232] : memref<1048576x32xf32, #tpu.memory_space<hbm>> -> memref<1048576x32xf32, #tpu.memory_space<hbm>>
        tpu.enqueue_indirect_dma source(%dma_start3A_233 : memref<1048576x32xf32, #tpu.memory_space<hbm>>) target(%dma_start3A_223 : memref<128x32xf32, #tpu.memory_space<vmem>>) offsets(%dma_start3A_230 : memref<128xi32, #tpu.memory_space<vmem>>) semaphore(%arg5 : memref<!tpu.dma_semaphore, #tpu.memory_space<semaphore_mem>>)
        %dma_start3A_234 = arith.constant 0 : i32
        %dma_start3A_235 = arith.constant 0 : i32
        %dma_start3A_236 = arith.constant 0 : i32
        %dma_start3A_237 = tpu.memref_slice %run_scoped3A_8[%rem3A_197, %dma_start3A_235, %dma_start3A_236] : memref<2x1024x32xf32, #tpu.memory_space<vmem>> -> memref<1x1024x32xf32, #tpu.memory_space<vmem>>
        %dma_start3A_238 = tpu.memref_squeeze %dma_start3A_237 : memref<1x1024x32xf32, #tpu.memory_space<vmem>> -> memref<1024x32xf32, #tpu.memory_space<vmem>>
        %dma_start3A_239 = arith.constant 256 : i32
        %dma_start3A_240 = arith.constant 0 : i32
        %dma_start3A_241 = tpu.memref_slice %dma_start3A_238[%dma_start3A_239, %dma_start3A_240] : memref<1024x32xf32, #tpu.memory_space<vmem>> -> memref<128x32xf32, #tpu.memory_space<vmem>>
        %dma_start3A_242 = arith.constant 0 : i32
        %dma_start3A_243 = arith.constant 0 : i32
        %dma_start3A_244 = tpu.memref_slice %run_scoped3A[%rem3A_195, %dma_start3A_242, %dma_start3A_243] : memref<2x1x1024xi32, #tpu.memory_space<vmem>> -> memref<1x1x1024xi32, #tpu.memory_space<vmem>>
        %dma_start3A_245 = tpu.memref_squeeze %dma_start3A_244 : memref<1x1x1024xi32, #tpu.memory_space<vmem>> -> memref<1x1024xi32, #tpu.memory_space<vmem>>
        %dma_start3A_246 = arith.constant 256 : i32
        %dma_start3A_247 = tpu.memref_slice %dma_start3A_245[%dma_start3A_234, %dma_start3A_246] : memref<1x1024xi32, #tpu.memory_space<vmem>> -> memref<1x128xi32, #tpu.memory_space<vmem>>
        %dma_start3A_248 = tpu.memref_squeeze %dma_start3A_247 : memref<1x128xi32, #tpu.memory_space<vmem>> -> memref<128xi32, #tpu.memory_space<vmem>>
        %dma_start3A_249 = arith.constant 0 : i32
        %dma_start3A_250 = arith.constant 0 : i32
        %dma_start3A_251 = tpu.memref_slice %arg2[%dma_start3A_249, %dma_start3A_250] : memref<1048576x32xf32, #tpu.memory_space<hbm>> -> memref<1048576x32xf32, #tpu.memory_space<hbm>>
        tpu.enqueue_indirect_dma source(%dma_start3A_251 : memref<1048576x32xf32, #tpu.memory_space<hbm>>) target(%dma_start3A_241 : memref<128x32xf32, #tpu.memory_space<vmem>>) offsets(%dma_start3A_248 : memref<128xi32, #tpu.memory_space<vmem>>) semaphore(%arg5 : memref<!tpu.dma_semaphore, #tpu.memory_space<semaphore_mem>>)
        %dma_start3A_252 = arith.constant 0 : i32
        %dma_start3A_253 = arith.constant 0 : i32
        %dma_start3A_254 = arith.constant 0 : i32
        %dma_start3A_255 = tpu.memref_slice %run_scoped3A_8[%rem3A_197, %dma_start3A_253, %dma_start3A_254] : memref<2x1024x32xf32, #tpu.memory_space<vmem>> -> memref<1x1024x32xf32, #tpu.memory_space<vmem>>
        %dma_start3A_256 = tpu.memref_squeeze %dma_start3A_255 : memref<1x1024x32xf32, #tpu.memory_space<vmem>> -> memref<1024x32xf32, #tpu.memory_space<vmem>>
        %dma_start3A_257 = arith.constant 384 : i32
        %dma_start3A_258 = arith.constant 0 : i32
        %dma_start3A_259 = tpu.memref_slice %dma_start3A_256[%dma_start3A_257, %dma_start3A_258] : memref<1024x32xf32, #tpu.memory_space<vmem>> -> memref<128x32xf32, #tpu.memory_space<vmem>>
        %dma_start3A_260 = arith.constant 0 : i32
        %dma_start3A_261 = arith.constant 0 : i32
        %dma_start3A_262 = tpu.memref_slice %run_scoped3A[%rem3A_195, %dma_start3A_260, %dma_start3A_261] : memref<2x1x1024xi32, #tpu.memory_space<vmem>> -> memref<1x1x1024xi32, #tpu.memory_space<vmem>>
        %dma_start3A_263 = tpu.memref_squeeze %dma_start3A_262 : memref<1x1x1024xi32, #tpu.memory_space<vmem>> -> memref<1x1024xi32, #tpu.memory_space<vmem>>
        %dma_start3A_264 = arith.constant 384 : i32
        %dma_start3A_265 = tpu.memref_slice %dma_start3A_263[%dma_start3A_252, %dma_start3A_264] : memref<1x1024xi32, #tpu.memory_space<vmem>> -> memref<1x128xi32, #tpu.memory_space<vmem>>
        %dma_start3A_266 = tpu.memref_squeeze %dma_start3A_265 : memref<1x128xi32, #tpu.memory_space<vmem>> -> memref<128xi32, #tpu.memory_space<vmem>>
        %dma_start3A_267 = arith.constant 0 : i32
        %dma_start3A_268 = arith.constant 0 : i32
        %dma_start3A_269 = tpu.memref_slice %arg2[%dma_start3A_267, %dma_start3A_268] : memref<1048576x32xf32, #tpu.memory_space<hbm>> -> memref<1048576x32xf32, #tpu.memory_space<hbm>>
        tpu.enqueue_indirect_dma source(%dma_start3A_269 : memref<1048576x32xf32, #tpu.memory_space<hbm>>) target(%dma_start3A_259 : memref<128x32xf32, #tpu.memory_space<vmem>>) offsets(%dma_start3A_266 : memref<128xi32, #tpu.memory_space<vmem>>) semaphore(%arg5 : memref<!tpu.dma_semaphore, #tpu.memory_space<semaphore_mem>>)
        %dma_start3A_270 = arith.constant 0 : i32
        %dma_start3A_271 = arith.constant 0 : i32
        %dma_start3A_272 = arith.constant 0 : i32
        %dma_start3A_273 = tpu.memref_slice %run_scoped3A_8[%rem3A_197, %dma_start3A_271, %dma_start3A_272] : memref<2x1024x32xf32, #tpu.memory_space<vmem>> -> memref<1x1024x32xf32, #tpu.memory_space<vmem>>
        %dma_start3A_274 = tpu.memref_squeeze %dma_start3A_273 : memref<1x1024x32xf32, #tpu.memory_space<vmem>> -> memref<1024x32xf32, #tpu.memory_space<vmem>>
        %dma_start3A_275 = arith.constant 512 : i32
        %dma_start3A_276 = arith.constant 0 : i32
        %dma_start3A_277 = tpu.memref_slice %dma_start3A_274[%dma_start3A_275, %dma_start3A_276] : memref<1024x32xf32, #tpu.memory_space<vmem>> -> memref<128x32xf32, #tpu.memory_space<vmem>>
        %dma_start3A_278 = arith.constant 0 : i32
        %dma_start3A_279 = arith.constant 0 : i32
        %dma_start3A_280 = tpu.memref_slice %run_scoped3A[%rem3A_195, %dma_start3A_278, %dma_start3A_279] : memref<2x1x1024xi32, #tpu.memory_space<vmem>> -> memref<1x1x1024xi32, #tpu.memory_space<vmem>>
        %dma_start3A_281 = tpu.memref_squeeze %dma_start3A_280 : memref<1x1x1024xi32, #tpu.memory_space<vmem>> -> memref<1x1024xi32, #tpu.memory_space<vmem>>
        %dma_start3A_282 = arith.constant 512 : i32
        %dma_start3A_283 = tpu.memref_slice %dma_start3A_281[%dma_start3A_270, %dma_start3A_282] : memref<1x1024xi32, #tpu.memory_space<vmem>> -> memref<1x128xi32, #tpu.memory_space<vmem>>
        %dma_start3A_284 = tpu.memref_squeeze %dma_start3A_283 : memref<1x128xi32, #tpu.memory_space<vmem>> -> memref<128xi32, #tpu.memory_space<vmem>>
        %dma_start3A_285 = arith.constant 0 : i32
        %dma_start3A_286 = arith.constant 0 : i32
        %dma_start3A_287 = tpu.memref_slice %arg2[%dma_start3A_285, %dma_start3A_286] : memref<1048576x32xf32, #tpu.memory_space<hbm>> -> memref<1048576x32xf32, #tpu.memory_space<hbm>>
        tpu.enqueue_indirect_dma source(%dma_start3A_287 : memref<1048576x32xf32, #tpu.memory_space<hbm>>) target(%dma_start3A_277 : memref<128x32xf32, #tpu.memory_space<vmem>>) offsets(%dma_start3A_284 : memref<128xi32, #tpu.memory_space<vmem>>) semaphore(%arg5 : memref<!tpu.dma_semaphore, #tpu.memory_space<semaphore_mem>>)
        %dma_start3A_288 = arith.constant 0 : i32
        %dma_start3A_289 = arith.constant 0 : i32
        %dma_start3A_290 = arith.constant 0 : i32
        %dma_start3A_291 = tpu.memref_slice %run_scoped3A_8[%rem3A_197, %dma_start3A_289, %dma_start3A_290] : memref<2x1024x32xf32, #tpu.memory_space<vmem>> -> memref<1x1024x32xf32, #tpu.memory_space<vmem>>
        %dma_start3A_292 = tpu.memref_squeeze %dma_start3A_291 : memref<1x1024x32xf32, #tpu.memory_space<vmem>> -> memref<1024x32xf32, #tpu.memory_space<vmem>>
        %dma_start3A_293 = arith.constant 640 : i32
        %dma_start3A_294 = arith.constant 0 : i32
        %dma_start3A_295 = tpu.memref_slice %dma_start3A_292[%dma_start3A_293, %dma_start3A_294] : memref<1024x32xf32, #tpu.memory_space<vmem>> -> memref<128x32xf32, #tpu.memory_space<vmem>>
        %dma_start3A_296 = arith.constant 0 : i32
        %dma_start3A_297 = arith.constant 0 : i32
        %dma_start3A_298 = tpu.memref_slice %run_scoped3A[%rem3A_195, %dma_start3A_296, %dma_start3A_297] : memref<2x1x1024xi32, #tpu.memory_space<vmem>> -> memref<1x1x1024xi32, #tpu.memory_space<vmem>>
        %dma_start3A_299 = tpu.memref_squeeze %dma_start3A_298 : memref<1x1x1024xi32, #tpu.memory_space<vmem>> -> memref<1x1024xi32, #tpu.memory_space<vmem>>
        %dma_start3A_300 = arith.constant 640 : i32
        %dma_start3A_301 = tpu.memref_slice %dma_start3A_299[%dma_start3A_288, %dma_start3A_300] : memref<1x1024xi32, #tpu.memory_space<vmem>> -> memref<1x128xi32, #tpu.memory_space<vmem>>
        %dma_start3A_302 = tpu.memref_squeeze %dma_start3A_301 : memref<1x128xi32, #tpu.memory_space<vmem>> -> memref<128xi32, #tpu.memory_space<vmem>>
        %dma_start3A_303 = arith.constant 0 : i32
        %dma_start3A_304 = arith.constant 0 : i32
        %dma_start3A_305 = tpu.memref_slice %arg2[%dma_start3A_303, %dma_start3A_304] : memref<1048576x32xf32, #tpu.memory_space<hbm>> -> memref<1048576x32xf32, #tpu.memory_space<hbm>>
        tpu.enqueue_indirect_dma source(%dma_start3A_305 : memref<1048576x32xf32, #tpu.memory_space<hbm>>) target(%dma_start3A_295 : memref<128x32xf32, #tpu.memory_space<vmem>>) offsets(%dma_start3A_302 : memref<128xi32, #tpu.memory_space<vmem>>) semaphore(%arg5 : memref<!tpu.dma_semaphore, #tpu.memory_space<semaphore_mem>>)
        %dma_start3A_306 = arith.constant 0 : i32
        %dma_start3A_307 = arith.constant 0 : i32
        %dma_start3A_308 = arith.constant 0 : i32
        %dma_start3A_309 = tpu.memref_slice %run_scoped3A_8[%rem3A_197, %dma_start3A_307, %dma_start3A_308] : memref<2x1024x32xf32, #tpu.memory_space<vmem>> -> memref<1x1024x32xf32, #tpu.memory_space<vmem>>
        %dma_start3A_310 = tpu.memref_squeeze %dma_start3A_309 : memref<1x1024x32xf32, #tpu.memory_space<vmem>> -> memref<1024x32xf32, #tpu.memory_space<vmem>>
        %dma_start3A_311 = arith.constant 768 : i32
        %dma_start3A_312 = arith.constant 0 : i32
        %dma_start3A_313 = tpu.memref_slice %dma_start3A_310[%dma_start3A_311, %dma_start3A_312] : memref<1024x32xf32, #tpu.memory_space<vmem>> -> memref<128x32xf32, #tpu.memory_space<vmem>>
        %dma_start3A_314 = arith.constant 0 : i32
        %dma_start3A_315 = arith.constant 0 : i32
        %dma_start3A_316 = tpu.memref_slice %run_scoped3A[%rem3A_195, %dma_start3A_314, %dma_start3A_315] : memref<2x1x1024xi32, #tpu.memory_space<vmem>> -> memref<1x1x1024xi32, #tpu.memory_space<vmem>>
        %dma_start3A_317 = tpu.memref_squeeze %dma_start3A_316 : memref<1x1x1024xi32, #tpu.memory_space<vmem>> -> memref<1x1024xi32, #tpu.memory_space<vmem>>
        %dma_start3A_318 = arith.constant 768 : i32
        %dma_start3A_319 = tpu.memref_slice %dma_start3A_317[%dma_start3A_306, %dma_start3A_318] : memref<1x1024xi32, #tpu.memory_space<vmem>> -> memref<1x128xi32, #tpu.memory_space<vmem>>
        %dma_start3A_320 = tpu.memref_squeeze %dma_start3A_319 : memref<1x128xi32, #tpu.memory_space<vmem>> -> memref<128xi32, #tpu.memory_space<vmem>>
        %dma_start3A_321 = arith.constant 0 : i32
        %dma_start3A_322 = arith.constant 0 : i32
        %dma_start3A_323 = tpu.memref_slice %arg2[%dma_start3A_321, %dma_start3A_322] : memref<1048576x32xf32, #tpu.memory_space<hbm>> -> memref<1048576x32xf32, #tpu.memory_space<hbm>>
        tpu.enqueue_indirect_dma source(%dma_start3A_323 : memref<1048576x32xf32, #tpu.memory_space<hbm>>) target(%dma_start3A_313 : memref<128x32xf32, #tpu.memory_space<vmem>>) offsets(%dma_start3A_320 : memref<128xi32, #tpu.memory_space<vmem>>) semaphore(%arg5 : memref<!tpu.dma_semaphore, #tpu.memory_space<semaphore_mem>>)
        %dma_start3A_324 = arith.constant 0 : i32
        %dma_start3A_325 = arith.constant 0 : i32
        %dma_start3A_326 = arith.constant 0 : i32
        %dma_start3A_327 = tpu.memref_slice %run_scoped3A_8[%rem3A_197, %dma_start3A_325, %dma_start3A_326] : memref<2x1024x32xf32, #tpu.memory_space<vmem>> -> memref<1x1024x32xf32, #tpu.memory_space<vmem>>
        %dma_start3A_328 = tpu.memref_squeeze %dma_start3A_327 : memref<1x1024x32xf32, #tpu.memory_space<vmem>> -> memref<1024x32xf32, #tpu.memory_space<vmem>>
        %dma_start3A_329 = arith.constant 896 : i32
        %dma_start3A_330 = arith.constant 0 : i32
        %dma_start3A_331 = tpu.memref_slice %dma_start3A_328[%dma_start3A_329, %dma_start3A_330] : memref<1024x32xf32, #tpu.memory_space<vmem>> -> memref<128x32xf32, #tpu.memory_space<vmem>>
        %dma_start3A_332 = arith.constant 0 : i32
        %dma_start3A_333 = arith.constant 0 : i32
        %dma_start3A_334 = tpu.memref_slice %run_scoped3A[%rem3A_195, %dma_start3A_332, %dma_start3A_333] : memref<2x1x1024xi32, #tpu.memory_space<vmem>> -> memref<1x1x1024xi32, #tpu.memory_space<vmem>>
        %dma_start3A_335 = tpu.memref_squeeze %dma_start3A_334 : memref<1x1x1024xi32, #tpu.memory_space<vmem>> -> memref<1x1024xi32, #tpu.memory_space<vmem>>
        %dma_start3A_336 = arith.constant 896 : i32
        %dma_start3A_337 = tpu.memref_slice %dma_start3A_335[%dma_start3A_324, %dma_start3A_336] : memref<1x1024xi32, #tpu.memory_space<vmem>> -> memref<1x128xi32, #tpu.memory_space<vmem>>
        %dma_start3A_338 = tpu.memref_squeeze %dma_start3A_337 : memref<1x128xi32, #tpu.memory_space<vmem>> -> memref<128xi32, #tpu.memory_space<vmem>>
        %dma_start3A_339 = arith.constant 0 : i32
        %dma_start3A_340 = arith.constant 0 : i32
        %dma_start3A_341 = tpu.memref_slice %arg2[%dma_start3A_339, %dma_start3A_340] : memref<1048576x32xf32, #tpu.memory_space<hbm>> -> memref<1048576x32xf32, #tpu.memory_space<hbm>>
        tpu.enqueue_indirect_dma source(%dma_start3A_341 : memref<1048576x32xf32, #tpu.memory_space<hbm>>) target(%dma_start3A_331 : memref<128x32xf32, #tpu.memory_space<vmem>>) offsets(%dma_start3A_338 : memref<128xi32, #tpu.memory_space<vmem>>) semaphore(%arg5 : memref<!tpu.dma_semaphore, #tpu.memory_space<semaphore_mem>>)
        %dma_wait3A_342 = arith.constant 0 : i32
        %dma_wait3A_343 = arith.constant 0 : i32
        %dma_wait3A_344 = arith.constant 0 : i32
        %dma_wait3A_345 = tpu.memref_slice %run_scoped3A_8[%rem3A_197, %dma_wait3A_343, %dma_wait3A_344] : memref<2x1024x32xf32, #tpu.memory_space<vmem>> -> memref<1x1024x32xf32, #tpu.memory_space<vmem>>
        %dma_wait3A_346 = tpu.memref_squeeze %dma_wait3A_345 : memref<1x1024x32xf32, #tpu.memory_space<vmem>> -> memref<1024x32xf32, #tpu.memory_space<vmem>>
        %dma_wait3A_347 = arith.constant 0 : i32
        %dma_wait3A_348 = arith.constant 0 : i32
        %dma_wait3A_349 = tpu.memref_slice %dma_wait3A_346[%dma_wait3A_347, %dma_wait3A_348] : memref<1024x32xf32, #tpu.memory_space<vmem>> -> memref<128x32xf32, #tpu.memory_space<vmem>>
        %dma_wait3A_350 = arith.constant 0 : i32
        %dma_wait3A_351 = arith.constant 0 : i32
        %dma_wait3A_352 = tpu.memref_slice %run_scoped3A[%rem3A_195, %dma_wait3A_350, %dma_wait3A_351] : memref<2x1x1024xi32, #tpu.memory_space<vmem>> -> memref<1x1x1024xi32, #tpu.memory_space<vmem>>
        %dma_wait3A_353 = tpu.memref_squeeze %dma_wait3A_352 : memref<1x1x1024xi32, #tpu.memory_space<vmem>> -> memref<1x1024xi32, #tpu.memory_space<vmem>>
        %dma_wait3A_354 = arith.constant 0 : i32
        %dma_wait3A_355 = tpu.memref_slice %dma_wait3A_353[%dma_wait3A_342, %dma_wait3A_354] : memref<1x1024xi32, #tpu.memory_space<vmem>> -> memref<1x128xi32, #tpu.memory_space<vmem>>
        %dma_wait3A_356 = tpu.memref_squeeze %dma_wait3A_355 : memref<1x128xi32, #tpu.memory_space<vmem>> -> memref<128xi32, #tpu.memory_space<vmem>>
        %dma_wait3A_357 = arith.constant 0 : i32
        %dma_wait3A_358 = arith.constant 0 : i32
        %dma_wait3A_359 = tpu.memref_slice %arg2[%dma_wait3A_357, %dma_wait3A_358] : memref<1048576x32xf32, #tpu.memory_space<hbm>> -> memref<1048576x32xf32, #tpu.memory_space<hbm>>
        tpu.wait_indirect_dma semaphore(%arg5 : memref<!tpu.dma_semaphore, #tpu.memory_space<semaphore_mem>>) src(%dma_wait3A_359 : memref<1048576x32xf32, #tpu.memory_space<hbm>>) dst(%dma_wait3A_349 : memref<128x32xf32, #tpu.memory_space<vmem>>)
        %dma_wait3A_360 = arith.constant 0 : i32
        %dma_wait3A_361 = arith.constant 0 : i32
        %dma_wait3A_362 = arith.constant 0 : i32
        %dma_wait3A_363 = tpu.memref_slice %run_scoped3A_8[%rem3A_197, %dma_wait3A_361, %dma_wait3A_362] : memref<2x1024x32xf32, #tpu.memory_space<vmem>> -> memref<1x1024x32xf32, #tpu.memory_space<vmem>>
        %dma_wait3A_364 = tpu.memref_squeeze %dma_wait3A_363 : memref<1x1024x32xf32, #tpu.memory_space<vmem>> -> memref<1024x32xf32, #tpu.memory_space<vmem>>
        %dma_wait3A_365 = arith.constant 128 : i32
        %dma_wait3A_366 = arith.constant 0 : i32
        %dma_wait3A_367 = tpu.memref_slice %dma_wait3A_364[%dma_wait3A_365, %dma_wait3A_366] : memref<1024x32xf32, #tpu.memory_space<vmem>> -> memref<128x32xf32, #tpu.memory_space<vmem>>
        %dma_wait3A_368 = arith.constant 0 : i32
        %dma_wait3A_369 = arith.constant 0 : i32
        %dma_wait3A_370 = tpu.memref_slice %run_scoped3A[%rem3A_195, %dma_wait3A_368, %dma_wait3A_369] : memref<2x1x1024xi32, #tpu.memory_space<vmem>> -> memref<1x1x1024xi32, #tpu.memory_space<vmem>>
        %dma_wait3A_371 = tpu.memref_squeeze %dma_wait3A_370 : memref<1x1x1024xi32, #tpu.memory_space<vmem>> -> memref<1x1024xi32, #tpu.memory_space<vmem>>
        %dma_wait3A_372 = arith.constant 128 : i32
        %dma_wait3A_373 = tpu.memref_slice %dma_wait3A_371[%dma_wait3A_360, %dma_wait3A_372] : memref<1x1024xi32, #tpu.memory_space<vmem>> -> memref<1x128xi32, #tpu.memory_space<vmem>>
        %dma_wait3A_374 = tpu.memref_squeeze %dma_wait3A_373 : memref<1x128xi32, #tpu.memory_space<vmem>> -> memref<128xi32, #tpu.memory_space<vmem>>
        %dma_wait3A_375 = arith.constant 0 : i32
        %dma_wait3A_376 = arith.constant 0 : i32
        %dma_wait3A_377 = tpu.memref_slice %arg2[%dma_wait3A_375, %dma_wait3A_376] : memref<1048576x32xf32, #tpu.memory_space<hbm>> -> memref<1048576x32xf32, #tpu.memory_space<hbm>>
        tpu.wait_indirect_dma semaphore(%arg5 : memref<!tpu.dma_semaphore, #tpu.memory_space<semaphore_mem>>) src(%dma_wait3A_377 : memref<1048576x32xf32, #tpu.memory_space<hbm>>) dst(%dma_wait3A_367 : memref<128x32xf32, #tpu.memory_space<vmem>>)
        %dma_wait3A_378 = arith.constant 0 : i32
        %dma_wait3A_379 = arith.constant 0 : i32
        %dma_wait3A_380 = arith.constant 0 : i32
        %dma_wait3A_381 = tpu.memref_slice %run_scoped3A_8[%rem3A_197, %dma_wait3A_379, %dma_wait3A_380] : memref<2x1024x32xf32, #tpu.memory_space<vmem>> -> memref<1x1024x32xf32, #tpu.memory_space<vmem>>
        %dma_wait3A_382 = tpu.memref_squeeze %dma_wait3A_381 : memref<1x1024x32xf32, #tpu.memory_space<vmem>> -> memref<1024x32xf32, #tpu.memory_space<vmem>>
        %dma_wait3A_383 = arith.constant 256 : i32
        %dma_wait3A_384 = arith.constant 0 : i32
        %dma_wait3A_385 = tpu.memref_slice %dma_wait3A_382[%dma_wait3A_383, %dma_wait3A_384] : memref<1024x32xf32, #tpu.memory_space<vmem>> -> memref<128x32xf32, #tpu.memory_space<vmem>>
        %dma_wait3A_386 = arith.constant 0 : i32
        %dma_wait3A_387 = arith.constant 0 : i32
        %dma_wait3A_388 = tpu.memref_slice %run_scoped3A[%rem3A_195, %dma_wait3A_386, %dma_wait3A_387] : memref<2x1x1024xi32, #tpu.memory_space<vmem>> -> memref<1x1x1024xi32, #tpu.memory_space<vmem>>
        %dma_wait3A_389 = tpu.memref_squeeze %dma_wait3A_388 : memref<1x1x1024xi32, #tpu.memory_space<vmem>> -> memref<1x1024xi32, #tpu.memory_space<vmem>>
        %dma_wait3A_390 = arith.constant 256 : i32
        %dma_wait3A_391 = tpu.memref_slice %dma_wait3A_389[%dma_wait3A_378, %dma_wait3A_390] : memref<1x1024xi32, #tpu.memory_space<vmem>> -> memref<1x128xi32, #tpu.memory_space<vmem>>
        %dma_wait3A_392 = tpu.memref_squeeze %dma_wait3A_391 : memref<1x128xi32, #tpu.memory_space<vmem>> -> memref<128xi32, #tpu.memory_space<vmem>>
        %dma_wait3A_393 = arith.constant 0 : i32
        %dma_wait3A_394 = arith.constant 0 : i32
        %dma_wait3A_395 = tpu.memref_slice %arg2[%dma_wait3A_393, %dma_wait3A_394] : memref<1048576x32xf32, #tpu.memory_space<hbm>> -> memref<1048576x32xf32, #tpu.memory_space<hbm>>
        tpu.wait_indirect_dma semaphore(%arg5 : memref<!tpu.dma_semaphore, #tpu.memory_space<semaphore_mem>>) src(%dma_wait3A_395 : memref<1048576x32xf32, #tpu.memory_space<hbm>>) dst(%dma_wait3A_385 : memref<128x32xf32, #tpu.memory_space<vmem>>)
        %dma_wait3A_396 = arith.constant 0 : i32
        %dma_wait3A_397 = arith.constant 0 : i32
        %dma_wait3A_398 = arith.constant 0 : i32
        %dma_wait3A_399 = tpu.memref_slice %run_scoped3A_8[%rem3A_197, %dma_wait3A_397, %dma_wait3A_398] : memref<2x1024x32xf32, #tpu.memory_space<vmem>> -> memref<1x1024x32xf32, #tpu.memory_space<vmem>>
        %dma_wait3A_400 = tpu.memref_squeeze %dma_wait3A_399 : memref<1x1024x32xf32, #tpu.memory_space<vmem>> -> memref<1024x32xf32, #tpu.memory_space<vmem>>
        %dma_wait3A_401 = arith.constant 384 : i32
        %dma_wait3A_402 = arith.constant 0 : i32
        %dma_wait3A_403 = tpu.memref_slice %dma_wait3A_400[%dma_wait3A_401, %dma_wait3A_402] : memref<1024x32xf32, #tpu.memory_space<vmem>> -> memref<128x32xf32, #tpu.memory_space<vmem>>
        %dma_wait3A_404 = arith.constant 0 : i32
        %dma_wait3A_405 = arith.constant 0 : i32
        %dma_wait3A_406 = tpu.memref_slice %run_scoped3A[%rem3A_195, %dma_wait3A_404, %dma_wait3A_405] : memref<2x1x1024xi32, #tpu.memory_space<vmem>> -> memref<1x1x1024xi32, #tpu.memory_space<vmem>>
        %dma_wait3A_407 = tpu.memref_squeeze %dma_wait3A_406 : memref<1x1x1024xi32, #tpu.memory_space<vmem>> -> memref<1x1024xi32, #tpu.memory_space<vmem>>
        %dma_wait3A_408 = arith.constant 384 : i32
        %dma_wait3A_409 = tpu.memref_slice %dma_wait3A_407[%dma_wait3A_396, %dma_wait3A_408] : memref<1x1024xi32, #tpu.memory_space<vmem>> -> memref<1x128xi32, #tpu.memory_space<vmem>>
        %dma_wait3A_410 = tpu.memref_squeeze %dma_wait3A_409 : memref<1x128xi32, #tpu.memory_space<vmem>> -> memref<128xi32, #tpu.memory_space<vmem>>
        %dma_wait3A_411 = arith.constant 0 : i32
        %dma_wait3A_412 = arith.constant 0 : i32
        %dma_wait3A_413 = tpu.memref_slice %arg2[%dma_wait3A_411, %dma_wait3A_412] : memref<1048576x32xf32, #tpu.memory_space<hbm>> -> memref<1048576x32xf32, #tpu.memory_space<hbm>>
        tpu.wait_indirect_dma semaphore(%arg5 : memref<!tpu.dma_semaphore, #tpu.memory_space<semaphore_mem>>) src(%dma_wait3A_413 : memref<1048576x32xf32, #tpu.memory_space<hbm>>) dst(%dma_wait3A_403 : memref<128x32xf32, #tpu.memory_space<vmem>>)
        %dma_wait3A_414 = arith.constant 0 : i32
        %dma_wait3A_415 = arith.constant 0 : i32
        %dma_wait3A_416 = arith.constant 0 : i32
        %dma_wait3A_417 = tpu.memref_slice %run_scoped3A_8[%rem3A_197, %dma_wait3A_415, %dma_wait3A_416] : memref<2x1024x32xf32, #tpu.memory_space<vmem>> -> memref<1x1024x32xf32, #tpu.memory_space<vmem>>
        %dma_wait3A_418 = tpu.memref_squeeze %dma_wait3A_417 : memref<1x1024x32xf32, #tpu.memory_space<vmem>> -> memref<1024x32xf32, #tpu.memory_space<vmem>>
        %dma_wait3A_419 = arith.constant 512 : i32
        %dma_wait3A_420 = arith.constant 0 : i32
        %dma_wait3A_421 = tpu.memref_slice %dma_wait3A_418[%dma_wait3A_419, %dma_wait3A_420] : memref<1024x32xf32, #tpu.memory_space<vmem>> -> memref<128x32xf32, #tpu.memory_space<vmem>>
        %dma_wait3A_422 = arith.constant 0 : i32
        %dma_wait3A_423 = arith.constant 0 : i32
        %dma_wait3A_424 = tpu.memref_slice %run_scoped3A[%rem3A_195, %dma_wait3A_422, %dma_wait3A_423] : memref<2x1x1024xi32, #tpu.memory_space<vmem>> -> memref<1x1x1024xi32, #tpu.memory_space<vmem>>
        %dma_wait3A_425 = tpu.memref_squeeze %dma_wait3A_424 : memref<1x1x1024xi32, #tpu.memory_space<vmem>> -> memref<1x1024xi32, #tpu.memory_space<vmem>>
        %dma_wait3A_426 = arith.constant 512 : i32
        %dma_wait3A_427 = tpu.memref_slice %dma_wait3A_425[%dma_wait3A_414, %dma_wait3A_426] : memref<1x1024xi32, #tpu.memory_space<vmem>> -> memref<1x128xi32, #tpu.memory_space<vmem>>
        %dma_wait3A_428 = tpu.memref_squeeze %dma_wait3A_427 : memref<1x128xi32, #tpu.memory_space<vmem>> -> memref<128xi32, #tpu.memory_space<vmem>>
        %dma_wait3A_429 = arith.constant 0 : i32
        %dma_wait3A_430 = arith.constant 0 : i32
        %dma_wait3A_431 = tpu.memref_slice %arg2[%dma_wait3A_429, %dma_wait3A_430] : memref<1048576x32xf32, #tpu.memory_space<hbm>> -> memref<1048576x32xf32, #tpu.memory_space<hbm>>
        tpu.wait_indirect_dma semaphore(%arg5 : memref<!tpu.dma_semaphore, #tpu.memory_space<semaphore_mem>>) src(%dma_wait3A_431 : memref<1048576x32xf32, #tpu.memory_space<hbm>>) dst(%dma_wait3A_421 : memref<128x32xf32, #tpu.memory_space<vmem>>)
        %dma_wait3A_432 = arith.constant 0 : i32
        %dma_wait3A_433 = arith.constant 0 : i32
        %dma_wait3A_434 = arith.constant 0 : i32
        %dma_wait3A_435 = tpu.memref_slice %run_scoped3A_8[%rem3A_197, %dma_wait3A_433, %dma_wait3A_434] : memref<2x1024x32xf32, #tpu.memory_space<vmem>> -> memref<1x1024x32xf32, #tpu.memory_space<vmem>>
        %dma_wait3A_436 = tpu.memref_squeeze %dma_wait3A_435 : memref<1x1024x32xf32, #tpu.memory_space<vmem>> -> memref<1024x32xf32, #tpu.memory_space<vmem>>
        %dma_wait3A_437 = arith.constant 640 : i32
        %dma_wait3A_438 = arith.constant 0 : i32
        %dma_wait3A_439 = tpu.memref_slice %dma_wait3A_436[%dma_wait3A_437, %dma_wait3A_438] : memref<1024x32xf32, #tpu.memory_space<vmem>> -> memref<128x32xf32, #tpu.memory_space<vmem>>
        %dma_wait3A_440 = arith.constant 0 : i32
        %dma_wait3A_441 = arith.constant 0 : i32
        %dma_wait3A_442 = tpu.memref_slice %run_scoped3A[%rem3A_195, %dma_wait3A_440, %dma_wait3A_441] : memref<2x1x1024xi32, #tpu.memory_space<vmem>> -> memref<1x1x1024xi32, #tpu.memory_space<vmem>>
        %dma_wait3A_443 = tpu.memref_squeeze %dma_wait3A_442 : memref<1x1x1024xi32, #tpu.memory_space<vmem>> -> memref<1x1024xi32, #tpu.memory_space<vmem>>
        %dma_wait3A_444 = arith.constant 640 : i32
        %dma_wait3A_445 = tpu.memref_slice %dma_wait3A_443[%dma_wait3A_432, %dma_wait3A_444] : memref<1x1024xi32, #tpu.memory_space<vmem>> -> memref<1x128xi32, #tpu.memory_space<vmem>>
        %dma_wait3A_446 = tpu.memref_squeeze %dma_wait3A_445 : memref<1x128xi32, #tpu.memory_space<vmem>> -> memref<128xi32, #tpu.memory_space<vmem>>
        %dma_wait3A_447 = arith.constant 0 : i32
        %dma_wait3A_448 = arith.constant 0 : i32
        %dma_wait3A_449 = tpu.memref_slice %arg2[%dma_wait3A_447, %dma_wait3A_448] : memref<1048576x32xf32, #tpu.memory_space<hbm>> -> memref<1048576x32xf32, #tpu.memory_space<hbm>>
        tpu.wait_indirect_dma semaphore(%arg5 : memref<!tpu.dma_semaphore, #tpu.memory_space<semaphore_mem>>) src(%dma_wait3A_449 : memref<1048576x32xf32, #tpu.memory_space<hbm>>) dst(%dma_wait3A_439 : memref<128x32xf32, #tpu.memory_space<vmem>>)
        %dma_wait3A_450 = arith.constant 0 : i32
        %dma_wait3A_451 = arith.constant 0 : i32
        %dma_wait3A_452 = arith.constant 0 : i32
        %dma_wait3A_453 = tpu.memref_slice %run_scoped3A_8[%rem3A_197, %dma_wait3A_451, %dma_wait3A_452] : memref<2x1024x32xf32, #tpu.memory_space<vmem>> -> memref<1x1024x32xf32, #tpu.memory_space<vmem>>
        %dma_wait3A_454 = tpu.memref_squeeze %dma_wait3A_453 : memref<1x1024x32xf32, #tpu.memory_space<vmem>> -> memref<1024x32xf32, #tpu.memory_space<vmem>>
        %dma_wait3A_455 = arith.constant 768 : i32
        %dma_wait3A_456 = arith.constant 0 : i32
        %dma_wait3A_457 = tpu.memref_slice %dma_wait3A_454[%dma_wait3A_455, %dma_wait3A_456] : memref<1024x32xf32, #tpu.memory_space<vmem>> -> memref<128x32xf32, #tpu.memory_space<vmem>>
        %dma_wait3A_458 = arith.constant 0 : i32
        %dma_wait3A_459 = arith.constant 0 : i32
        %dma_wait3A_460 = tpu.memref_slice %run_scoped3A[%rem3A_195, %dma_wait3A_458, %dma_wait3A_459] : memref<2x1x1024xi32, #tpu.memory_space<vmem>> -> memref<1x1x1024xi32, #tpu.memory_space<vmem>>
        %dma_wait3A_461 = tpu.memref_squeeze %dma_wait3A_460 : memref<1x1x1024xi32, #tpu.memory_space<vmem>> -> memref<1x1024xi32, #tpu.memory_space<vmem>>
        %dma_wait3A_462 = arith.constant 768 : i32
        %dma_wait3A_463 = tpu.memref_slice %dma_wait3A_461[%dma_wait3A_450, %dma_wait3A_462] : memref<1x1024xi32, #tpu.memory_space<vmem>> -> memref<1x128xi32, #tpu.memory_space<vmem>>
        %dma_wait3A_464 = tpu.memref_squeeze %dma_wait3A_463 : memref<1x128xi32, #tpu.memory_space<vmem>> -> memref<128xi32, #tpu.memory_space<vmem>>
        %dma_wait3A_465 = arith.constant 0 : i32
        %dma_wait3A_466 = arith.constant 0 : i32
        %dma_wait3A_467 = tpu.memref_slice %arg2[%dma_wait3A_465, %dma_wait3A_466] : memref<1048576x32xf32, #tpu.memory_space<hbm>> -> memref<1048576x32xf32, #tpu.memory_space<hbm>>
        tpu.wait_indirect_dma semaphore(%arg5 : memref<!tpu.dma_semaphore, #tpu.memory_space<semaphore_mem>>) src(%dma_wait3A_467 : memref<1048576x32xf32, #tpu.memory_space<hbm>>) dst(%dma_wait3A_457 : memref<128x32xf32, #tpu.memory_space<vmem>>)
        %dma_wait3A_468 = arith.constant 0 : i32
        %dma_wait3A_469 = arith.constant 0 : i32
        %dma_wait3A_470 = arith.constant 0 : i32
        %dma_wait3A_471 = tpu.memref_slice %run_scoped3A_8[%rem3A_197, %dma_wait3A_469, %dma_wait3A_470] : memref<2x1024x32xf32, #tpu.memory_space<vmem>> -> memref<1x1024x32xf32, #tpu.memory_space<vmem>>
        %dma_wait3A_472 = tpu.memref_squeeze %dma_wait3A_471 : memref<1x1024x32xf32, #tpu.memory_space<vmem>> -> memref<1024x32xf32, #tpu.memory_space<vmem>>
        %dma_wait3A_473 = arith.constant 896 : i32
        %dma_wait3A_474 = arith.constant 0 : i32
        %dma_wait3A_475 = tpu.memref_slice %dma_wait3A_472[%dma_wait3A_473, %dma_wait3A_474] : memref<1024x32xf32, #tpu.memory_space<vmem>> -> memref<128x32xf32, #tpu.memory_space<vmem>>
        %dma_wait3A_476 = arith.constant 0 : i32
        %dma_wait3A_477 = arith.constant 0 : i32
        %dma_wait3A_478 = tpu.memref_slice %run_scoped3A[%rem3A_195, %dma_wait3A_476, %dma_wait3A_477] : memref<2x1x1024xi32, #tpu.memory_space<vmem>> -> memref<1x1x1024xi32, #tpu.memory_space<vmem>>
        %dma_wait3A_479 = tpu.memref_squeeze %dma_wait3A_478 : memref<1x1x1024xi32, #tpu.memory_space<vmem>> -> memref<1x1024xi32, #tpu.memory_space<vmem>>
        %dma_wait3A_480 = arith.constant 896 : i32
        %dma_wait3A_481 = tpu.memref_slice %dma_wait3A_479[%dma_wait3A_468, %dma_wait3A_480] : memref<1x1024xi32, #tpu.memory_space<vmem>> -> memref<1x128xi32, #tpu.memory_space<vmem>>
        %dma_wait3A_482 = tpu.memref_squeeze %dma_wait3A_481 : memref<1x128xi32, #tpu.memory_space<vmem>> -> memref<128xi32, #tpu.memory_space<vmem>>
        %dma_wait3A_483 = arith.constant 0 : i32
        %dma_wait3A_484 = arith.constant 0 : i32
        %dma_wait3A_485 = tpu.memref_slice %arg2[%dma_wait3A_483, %dma_wait3A_484] : memref<1048576x32xf32, #tpu.memory_space<hbm>> -> memref<1048576x32xf32, #tpu.memory_space<hbm>>
        tpu.wait_indirect_dma semaphore(%arg5 : memref<!tpu.dma_semaphore, #tpu.memory_space<semaphore_mem>>) src(%dma_wait3A_485 : memref<1048576x32xf32, #tpu.memory_space<hbm>>) dst(%dma_wait3A_475 : memref<128x32xf32, #tpu.memory_space<vmem>>)
        "tpu.trace_stop"() : () -> ()
        %ne3A_486 = arith.cmpi ne, %add3A_131, %add3A_149 : i32
        %or3A_487 = arith.constant false
        %or3A_488 = arith.ori %or3A_487, %ne3A_486 : i1
        %or3A_489 = arith.ori %or3A_488, %eq3A_130 : i1
        %convert_element_type3A_490 = arith.extui %or3A_489 : i1 to i32
        %cond3A_491 = arith.constant 0 : i32
        %cond3A_492 = arith.cmpi ne, %convert_element_type3A_490, %cond3A_491 : i32
        scf.if %cond3A_492 {
        } else {
        }
        %and3A_493 = arith.constant false
        %and3A_494 = arith.andi %or3A_489, %and3A_493 : i1
        %ne3A_495 = arith.cmpi ne, %add3A_131, %add3A_149 : i32
        %or3A_496 = arith.constant false
        %or3A_497 = arith.ori %or3A_496, %ne3A_495 : i1
        %or3A_498 = arith.constant false
        %or3A_499 = arith.ori %or3A_497, %or3A_498 : i1
        %or3A_500 = arith.ori %or3A_499, %eq3A_130 : i1
        %convert_element_type3A_501 = arith.extui %or3A_500 : i1 to i32
        %cond3A_502 = arith.constant 0 : i32
        %cond3A_503 = arith.cmpi ne, %convert_element_type3A_501, %cond3A_502 : i32
        scf.if %cond3A_503 {
          "tpu.trace_start"() <{level = 10 : i32, message = "ep_copy_out"}> : () -> ()
          %rem3A_551 = arith.constant 2 : i32
          %rem3A_552 = arith.remui %scan3A_124, %rem3A_551 : i32
          %mul3A_553 = arith.constant 1024 : i32
          %mul3A_554 = arith.muli %mul3A_553, %add3A_131 : i32
          %dma_start3A_555 = arith.constant 0 : i32
          %dma_start3A_556 = arith.constant 0 : i32
          %dma_start3A_557 = tpu.memref_slice %run_scoped3A_8[%rem3A_552, %dma_start3A_555, %dma_start3A_556] : memref<2x1024x32xf32, #tpu.memory_space<vmem>> -> memref<1x1024x32xf32, #tpu.memory_space<vmem>>
          %dma_start3A_558 = tpu.memref_squeeze %dma_start3A_557 : memref<1x1024x32xf32, #tpu.memory_space<vmem>> -> memref<1024x32xf32, #tpu.memory_space<vmem>>
          %dma_start3A_559 = arith.constant 0 : i32
          %dma_start3A_560 = tpu.memref_slice %arg4[%mul3A_554, %dma_start3A_559] : memref<819200x32xf32, #tpu.memory_space<hbm>> -> memref<1024x32xf32, #tpu.memory_space<hbm>>
          %dma_start3A_561 = tpu.memref_slice %run_scoped3A_9[%rem3A_552] : memref<2x!tpu.dma_semaphore, #tpu.memory_space<semaphore_mem>> -> memref<1x!tpu.dma_semaphore, #tpu.memory_space<semaphore_mem>>
          %dma_start3A_562 = tpu.memref_squeeze %dma_start3A_561 : memref<1x!tpu.dma_semaphore, #tpu.memory_space<semaphore_mem>> -> memref<!tpu.dma_semaphore, #tpu.memory_space<semaphore_mem>>
          %dma_start3A_563 = arith.constant 0 : i32
          %dma_start3A_564 = tpu.memref_slice %arg4[%mul3A_554, %dma_start3A_563] : memref<819200x32xf32, #tpu.memory_space<hbm>> -> memref<1024x32xf32, #tpu.memory_space<hbm>>
          %dma_start3A_565 = arith.constant 0 : i32
          %dma_start3A_566 = arith.constant 0 : i32
          %dma_start3A_567 = tpu.memref_slice %run_scoped3A_8[%rem3A_552, %dma_start3A_565, %dma_start3A_566] : memref<2x1024x32xf32, #tpu.memory_space<vmem>> -> memref<1x1024x32xf32, #tpu.memory_space<vmem>>
          %dma_start3A_568 = tpu.memref_squeeze %dma_start3A_567 : memref<1x1024x32xf32, #tpu.memory_space<vmem>> -> memref<1024x32xf32, #tpu.memory_space<vmem>>
          tpu.enqueue_dma source(%dma_start3A_568 : memref<1024x32xf32, #tpu.memory_space<vmem>>) target(%dma_start3A_564 : memref<1024x32xf32, #tpu.memory_space<hbm>>) target_semaphore(%dma_start3A_562 : memref<!tpu.dma_semaphore, #tpu.memory_space<semaphore_mem>>)
          "tpu.trace_stop"() : () -> ()
        } else {
        }
        %and3A_504 = arith.constant true
        %and3A_505 = arith.andi %or3A_500, %and3A_504 : i1
        %add3A_506 = arith.constant 1 : i32
        %add3A_507 = arith.addi %scan3A_124, %add3A_506 : i32
        %select_n3A_508 = arith.select %and3A_505, %add3A_507, %scan3A_124 : i32
        %ne3A_509 = arith.cmpi ne, %add3A_131, %add3A_140 : i32
        %or3A_510 = arith.constant false
        %or3A_511 = arith.ori %or3A_510, %ne3A_509 : i1
        %not3A_512 = arith.constant true
        %not3A_513 = arith.xori %eq3A_128, %not3A_512 : i1
        %and3A_514 = arith.andi %or3A_511, %not3A_513 : i1
        %convert_element_type3A_515 = arith.extui %and3A_514 : i1 to i32
        %cond3A_516 = arith.constant 0 : i32
        %cond3A_517 = arith.cmpi ne, %convert_element_type3A_515, %cond3A_516 : i32
        scf.if %cond3A_517 {
        } else {
        }
        %and3A_518 = arith.constant false
        %and3A_519 = arith.andi %and3A_514, %and3A_518 : i1
        %ne3A_520 = arith.cmpi ne, %add3A_131, %add3A_140 : i32
        %or3A_521 = arith.constant false
        %or3A_522 = arith.ori %or3A_521, %ne3A_520 : i1
        %or3A_523 = arith.constant false
        %or3A_524 = arith.ori %or3A_522, %or3A_523 : i1
        %not3A_525 = arith.constant true
        %not3A_526 = arith.xori %eq3A_128, %not3A_525 : i1
        %and3A_527 = arith.andi %or3A_524, %not3A_526 : i1
        %convert_element_type3A_528 = arith.extui %and3A_527 : i1 to i32
        %cond3A_529 = arith.constant 0 : i32
        %cond3A_530 = arith.cmpi ne, %convert_element_type3A_528, %cond3A_529 : i32
        scf.if %cond3A_530 {
          "tpu.trace_start"() <{level = 10 : i32, message = "ep_wait_out"}> : () -> ()
          %rem3A_551 = arith.constant 2 : i32
          %rem3A_552 = arith.remui %scan3A_125, %rem3A_551 : i32
          %mul3A_553 = arith.constant 1024 : i32
          %mul3A_554 = arith.muli %mul3A_553, %add3A_140 : i32
          %dma_wait3A_555 = arith.constant 0 : i32
          %dma_wait3A_556 = arith.constant 0 : i32
          %dma_wait3A_557 = tpu.memref_slice %run_scoped3A_8[%rem3A_552, %dma_wait3A_555, %dma_wait3A_556] : memref<2x1024x32xf32, #tpu.memory_space<vmem>> -> memref<1x1024x32xf32, #tpu.memory_space<vmem>>
          %dma_wait3A_558 = tpu.memref_squeeze %dma_wait3A_557 : memref<1x1024x32xf32, #tpu.memory_space<vmem>> -> memref<1024x32xf32, #tpu.memory_space<vmem>>
          %dma_wait3A_559 = arith.constant 0 : i32
          %dma_wait3A_560 = tpu.memref_slice %arg4[%mul3A_554, %dma_wait3A_559] : memref<819200x32xf32, #tpu.memory_space<hbm>> -> memref<1024x32xf32, #tpu.memory_space<hbm>>
          %dma_wait3A_561 = tpu.memref_slice %run_scoped3A_9[%rem3A_552] : memref<2x!tpu.dma_semaphore, #tpu.memory_space<semaphore_mem>> -> memref<1x!tpu.dma_semaphore, #tpu.memory_space<semaphore_mem>>
          %dma_wait3A_562 = tpu.memref_squeeze %dma_wait3A_561 : memref<1x!tpu.dma_semaphore, #tpu.memory_space<semaphore_mem>> -> memref<!tpu.dma_semaphore, #tpu.memory_space<semaphore_mem>>
          %dma_wait3A_563 = arith.constant 0 : i32
          %dma_wait3A_564 = tpu.memref_slice %arg4[%mul3A_554, %dma_wait3A_563] : memref<819200x32xf32, #tpu.memory_space<hbm>> -> memref<1024x32xf32, #tpu.memory_space<hbm>>
          %dma_wait3A_565 = arith.constant 0 : i32
          %dma_wait3A_566 = arith.constant 0 : i32
          %dma_wait3A_567 = tpu.memref_slice %run_scoped3A_8[%rem3A_552, %dma_wait3A_565, %dma_wait3A_566] : memref<2x1024x32xf32, #tpu.memory_space<vmem>> -> memref<1x1024x32xf32, #tpu.memory_space<vmem>>
          %dma_wait3A_568 = tpu.memref_squeeze %dma_wait3A_567 : memref<1x1024x32xf32, #tpu.memory_space<vmem>> -> memref<1024x32xf32, #tpu.memory_space<vmem>>
          tpu.wait_dma2 semaphore(%dma_wait3A_562 : memref<!tpu.dma_semaphore, #tpu.memory_space<semaphore_mem>>) src(%dma_wait3A_568 : memref<1024x32xf32, #tpu.memory_space<vmem>>) dst(%dma_wait3A_564 : memref<1024x32xf32, #tpu.memory_space<hbm>>)
          "tpu.trace_stop"() : () -> ()
        } else {
        }
        %and3A_531 = arith.constant true
        %and3A_532 = arith.andi %and3A_527, %and3A_531 : i1
        %add3A_533 = arith.constant 1 : i32
        %add3A_534 = arith.addi %scan3A_125, %add3A_533 : i32
        %select_n3A_535 = arith.select %and3A_532, %add3A_534, %scan3A_125 : i32
        %ne3A_536 = arith.cmpi ne, %add3A_131, %add3A_149 : i32
        %or3A_537 = arith.constant false
        %or3A_538 = arith.ori %or3A_537, %ne3A_536 : i1
        %or3A_539 = arith.ori %or3A_538, %eq3A_130 : i1
        %add3A_540 = arith.constant 1 : i32
        %add3A_541 = arith.addi %scan3A_123, %add3A_540 : i32
        %select_n3A_542 = arith.select %or3A_539, %add3A_541, %scan3A_123 : i32
        %add3A_543 = arith.constant 1 : i32
        %add3A_544 = arith.addi %scan3A_126, %add3A_543 : i32
        %select_n3A_545 = arith.constant true
        %select_n3A_546 = arith.select %select_n3A_545, %add3A_544, %scan3A_126 : i32
        %eq3A_547 = arith.constant 25 : i32
        %eq3A_548 = arith.cmpi eq, %select_n3A_546, %eq3A_547 : i32
        %select_n3A_549 = arith.constant 0 : i32
        %select_n3A_550 = arith.select %eq3A_548, %select_n3A_549, %select_n3A_546 : i32
        scf.yield %select_n3A_167, %select_n3A_542, %select_n3A_508, %select_n3A_535, %select_n3A_550 : i32, i32, i32, i32, i32
      }
      %scan3A_68 = arith.constant 25 : i32
      %sub3A = arith.constant 1 : i32
      %sub3A_69 = arith.subi %scan3A_67#4, %sub3A : i32
      %select_n3A_70 = arith.constant true
      %select_n3A_71 = arith.select %select_n3A_70, %sub3A_69, %scan3A_67#4 : i32
      %eq3A_72 = arith.constant -1 : i32
      %eq3A_73 = arith.cmpi eq, %select_n3A_71, %eq3A_72 : i32
      %select_n3A_74 = arith.constant 24 : i32
      %select_n3A_75 = arith.select %eq3A_73, %select_n3A_74, %select_n3A_71 : i32
      %add3A_76 = arith.addi %select_n3A_75, %mul3A_6 : i32
      %sub3A_77 = arith.constant 1 : i32
      %sub3A_78 = arith.subi %select_n3A_75, %sub3A_77 : i32
      %select_n3A_79 = arith.constant true
      %select_n3A_80 = arith.select %select_n3A_79, %sub3A_78, %select_n3A_75 : i32
      %eq3A_81 = arith.constant -1 : i32
      %eq3A_82 = arith.cmpi eq, %select_n3A_80, %eq3A_81 : i32
      %select_n3A_83 = arith.constant 24 : i32
      %select_n3A_84 = arith.select %eq3A_82, %select_n3A_83, %select_n3A_80 : i32
      %add3A_85 = arith.addi %select_n3A_84, %mul3A_6 : i32
      %add3A_86 = arith.constant 1 : i32
      %add3A_87 = arith.addi %select_n3A_75, %add3A_86 : i32
      %select_n3A_88 = arith.constant true
      %select_n3A_89 = arith.select %select_n3A_88, %add3A_87, %select_n3A_75 : i32
      %eq3A_90 = arith.constant 25 : i32
      %eq3A_91 = arith.cmpi eq, %select_n3A_89, %eq3A_90 : i32
      %select_n3A_92 = arith.constant 0 : i32
      %select_n3A_93 = arith.select %eq3A_91, %select_n3A_92, %select_n3A_89 : i32
      %add3A_94 = arith.addi %select_n3A_93, %mul3A_6 : i32
      %add3A_95 = arith.constant 1 : i32
      %add3A_96 = arith.addi %select_n3A_93, %add3A_95 : i32
      %select_n3A_97 = arith.constant true
      %select_n3A_98 = arith.select %select_n3A_97, %add3A_96, %select_n3A_93 : i32
      %eq3A_99 = arith.constant 25 : i32
      %eq3A_100 = arith.cmpi eq, %select_n3A_98, %eq3A_99 : i32
      %select_n3A_101 = arith.constant 0 : i32
      %select_n3A_102 = arith.select %eq3A_100, %select_n3A_101, %select_n3A_98 : i32
      %add3A_103 = arith.addi %select_n3A_102, %mul3A_6 : i32
      "tpu.trace_start"() <{level = 10 : i32, message = "ep_finalize"}> : () -> ()
      %rem3A_104 = arith.constant 2 : i32
      %rem3A_105 = arith.remui %scan3A_67#3, %rem3A_104 : i32
      %mul3A_106 = arith.constant 1024 : i32
      %mul3A_107 = arith.muli %mul3A_106, %add3A_76 : i32
      %dma_wait3A = arith.constant 0 : i32
      %dma_wait3A_108 = arith.constant 0 : i32
      %dma_wait3A_109 = tpu.memref_slice %run_scoped3A_8[%rem3A_105, %dma_wait3A, %dma_wait3A_108] : memref<2x1024x32xf32, #tpu.memory_space<vmem>> -> memref<1x1024x32xf32, #tpu.memory_space<vmem>>
      %dma_wait3A_110 = tpu.memref_squeeze %dma_wait3A_109 : memref<1x1024x32xf32, #tpu.memory_space<vmem>> -> memref<1024x32xf32, #tpu.memory_space<vmem>>
      %dma_wait3A_111 = arith.constant 0 : i32
      %dma_wait3A_112 = tpu.memref_slice %arg4[%mul3A_107, %dma_wait3A_111] : memref<819200x32xf32, #tpu.memory_space<hbm>> -> memref<1024x32xf32, #tpu.memory_space<hbm>>
      %dma_wait3A_113 = tpu.memref_slice %run_scoped3A_9[%rem3A_105] : memref<2x!tpu.dma_semaphore, #tpu.memory_space<semaphore_mem>> -> memref<1x!tpu.dma_semaphore, #tpu.memory_space<semaphore_mem>>
      %dma_wait3A_114 = tpu.memref_squeeze %dma_wait3A_113 : memref<1x!tpu.dma_semaphore, #tpu.memory_space<semaphore_mem>> -> memref<!tpu.dma_semaphore, #tpu.memory_space<semaphore_mem>>
      %dma_wait3A_115 = arith.constant 0 : i32
      %dma_wait3A_116 = tpu.memref_slice %arg4[%mul3A_107, %dma_wait3A_115] : memref<819200x32xf32, #tpu.memory_space<hbm>> -> memref<1024x32xf32, #tpu.memory_space<hbm>>
      %dma_wait3A_117 = arith.constant 0 : i32
      %dma_wait3A_118 = arith.constant 0 : i32
      %dma_wait3A_119 = tpu.memref_slice %run_scoped3A_8[%rem3A_105, %dma_wait3A_117, %dma_wait3A_118] : memref<2x1024x32xf32, #tpu.memory_space<vmem>> -> memref<1x1024x32xf32, #tpu.memory_space<vmem>>
      %dma_wait3A_120 = tpu.memref_squeeze %dma_wait3A_119 : memref<1x1024x32xf32, #tpu.memory_space<vmem>> -> memref<1024x32xf32, #tpu.memory_space<vmem>>
      tpu.wait_dma2 semaphore(%dma_wait3A_114 : memref<!tpu.dma_semaphore, #tpu.memory_space<semaphore_mem>>) src(%dma_wait3A_120 : memref<1024x32xf32, #tpu.memory_space<vmem>>) dst(%dma_wait3A_116 : memref<1024x32xf32, #tpu.memory_space<hbm>>)
      "tpu.trace_stop"() : () -> ()
      tpu.yield
    }) : () -> ()
    return
  }
}

module attributes {stable_mosaic.version = 14 : i64} {
  func.func @body(%arg0: i32, %arg1: memref<32x2048xf32, #tpu.memory_space<vmem>>, %arg2: memref<32x2048xf32, #tpu.memory_space<vmem>>, %arg3: memref<32x2048xf32, #tpu.memory_space<vmem>>, %arg4: memref<32x2048xf32, #tpu.memory_space<vmem>>, %arg5: memref<2048x128xf32, #tpu.memory_space<vmem>>) attributes {dimension_semantics = [#tpu.dimension_semantics<arbitrary>], iteration_bounds = array<i64: 128>, scalar_prefetch = 0 : i64, scratch_operands = 0 : i64, tpu.core_type = #tpu.core_type<tc>, window_params = [{transform_indices = @transform_0, window_bounds = array<i64: 32, 2048>}, {transform_indices = @transform_1, window_bounds = array<i64: 32, 2048>}, {transform_indices = @transform_2, window_bounds = array<i64: 32, 2048>}, {transform_indices = @transform_3, window_bounds = array<i64: 32, 2048>}, {transform_indices = @transform_4, window_bounds = array<i64: 2048, 128>}]} {
    %get3A = arith.constant 0 : index
    %get3A_0 = arith.constant 0 : index
    %get3A_1 = vector.load %arg1[%get3A, %get3A_0] : memref<32x2048xf32, #tpu.memory_space<vmem>>, vector<32x2048xf32>
    %get3A_2 = arith.constant 0 : index
    %get3A_3 = arith.constant 0 : index
    %get3A_4 = vector.load %arg2[%get3A_2, %get3A_3] : memref<32x2048xf32, #tpu.memory_space<vmem>>, vector<32x2048xf32>
    %get3A_5 = arith.constant 0 : index
    %get3A_6 = arith.constant 0 : index
    %get3A_7 = vector.load %arg3[%get3A_5, %get3A_6] : memref<32x2048xf32, #tpu.memory_space<vmem>>, vector<32x2048xf32>
    %get3A_8 = arith.constant 0 : index
    %get3A_9 = arith.constant 0 : index
    %get3A_10 = vector.load %arg4[%get3A_8, %get3A_9] : memref<32x2048xf32, #tpu.memory_space<vmem>>, vector<32x2048xf32>
    %slice3A = vector.extract_strided_slice %get3A_1 {offsets = [0, 0], sizes = [32, 128], strides = [1, 1]} : vector<32x2048xf32> to vector<32x128xf32>
    %slice3A_11 = vector.extract_strided_slice %get3A_4 {offsets = [0, 0], sizes = [32, 128], strides = [1, 1]} : vector<32x2048xf32> to vector<32x128xf32>
    %slice3A_12 = vector.extract_strided_slice %get3A_7 {offsets = [0, 0], sizes = [32, 128], strides = [1, 1]} : vector<32x2048xf32> to vector<32x128xf32>
    %slice3A_13 = vector.extract_strided_slice %get3A_10 {offsets = [0, 0], sizes = [32, 128], strides = [1, 1]} : vector<32x2048xf32> to vector<32x128xf32>
    %concatenate3A = tpu.concatenate %slice3A, %slice3A_11, %slice3A_12, %slice3A_13 in 0 : vector<32x128xf32>, vector<32x128xf32>, vector<32x128xf32>, vector<32x128xf32> -> vector<128x128xf32>
    %transpose3A = tpu.transpose %concatenate3A, [1, 0] : vector<128x128xf32> -> vector<128x128xf32>
    %swap3A = arith.constant 0 : index
    %swap3A_14 = arith.constant 0 : index
    %swap3A_15 = vector.load %arg5[%swap3A, %swap3A_14] : memref<2048x128xf32, #tpu.memory_space<vmem>>, vector<128x128xf32>
    tpu.vector_store %arg5[%swap3A, %swap3A_14], %transpose3A {strides = array<i32>} : memref<2048x128xf32, #tpu.memory_space<vmem>>, vector<128x128xf32>,
    %slice3A_16 = vector.extract_strided_slice %get3A_1 {offsets = [0, 128], sizes = [32, 128], strides = [1, 1]} : vector<32x2048xf32> to vector<32x128xf32>
    %slice3A_17 = vector.extract_strided_slice %get3A_4 {offsets = [0, 128], sizes = [32, 128], strides = [1, 1]} : vector<32x2048xf32> to vector<32x128xf32>
    %slice3A_18 = vector.extract_strided_slice %get3A_7 {offsets = [0, 128], sizes = [32, 128], strides = [1, 1]} : vector<32x2048xf32> to vector<32x128xf32>
    %slice3A_19 = vector.extract_strided_slice %get3A_10 {offsets = [0, 128], sizes = [32, 128], strides = [1, 1]} : vector<32x2048xf32> to vector<32x128xf32>
    %concatenate3A_20 = tpu.concatenate %slice3A_16, %slice3A_17, %slice3A_18, %slice3A_19 in 0 : vector<32x128xf32>, vector<32x128xf32>, vector<32x128xf32>, vector<32x128xf32> -> vector<128x128xf32>
    %transpose3A_21 = tpu.transpose %concatenate3A_20, [1, 0] : vector<128x128xf32> -> vector<128x128xf32>
    %swap3A_22 = arith.constant 128 : index
    %swap3A_23 = arith.constant 0 : index
    %swap3A_24 = vector.load %arg5[%swap3A_22, %swap3A_23] : memref<2048x128xf32, #tpu.memory_space<vmem>>, vector<128x128xf32>
    tpu.vector_store %arg5[%swap3A_22, %swap3A_23], %transpose3A_21 {strides = array<i32>} : memref<2048x128xf32, #tpu.memory_space<vmem>>, vector<128x128xf32>,
    %slice3A_25 = vector.extract_strided_slice %get3A_1 {offsets = [0, 256], sizes = [32, 128], strides = [1, 1]} : vector<32x2048xf32> to vector<32x128xf32>
    %slice3A_26 = vector.extract_strided_slice %get3A_4 {offsets = [0, 256], sizes = [32, 128], strides = [1, 1]} : vector<32x2048xf32> to vector<32x128xf32>
    %slice3A_27 = vector.extract_strided_slice %get3A_7 {offsets = [0, 256], sizes = [32, 128], strides = [1, 1]} : vector<32x2048xf32> to vector<32x128xf32>
    %slice3A_28 = vector.extract_strided_slice %get3A_10 {offsets = [0, 256], sizes = [32, 128], strides = [1, 1]} : vector<32x2048xf32> to vector<32x128xf32>
    %concatenate3A_29 = tpu.concatenate %slice3A_25, %slice3A_26, %slice3A_27, %slice3A_28 in 0 : vector<32x128xf32>, vector<32x128xf32>, vector<32x128xf32>, vector<32x128xf32> -> vector<128x128xf32>
    %transpose3A_30 = tpu.transpose %concatenate3A_29, [1, 0] : vector<128x128xf32> -> vector<128x128xf32>
    %swap3A_31 = arith.constant 256 : index
    %swap3A_32 = arith.constant 0 : index
    %swap3A_33 = vector.load %arg5[%swap3A_31, %swap3A_32] : memref<2048x128xf32, #tpu.memory_space<vmem>>, vector<128x128xf32>
    tpu.vector_store %arg5[%swap3A_31, %swap3A_32], %transpose3A_30 {strides = array<i32>} : memref<2048x128xf32, #tpu.memory_space<vmem>>, vector<128x128xf32>,
    %slice3A_34 = vector.extract_strided_slice %get3A_1 {offsets = [0, 384], sizes = [32, 128], strides = [1, 1]} : vector<32x2048xf32> to vector<32x128xf32>
    %slice3A_35 = vector.extract_strided_slice %get3A_4 {offsets = [0, 384], sizes = [32, 128], strides = [1, 1]} : vector<32x2048xf32> to vector<32x128xf32>
    %slice3A_36 = vector.extract_strided_slice %get3A_7 {offsets = [0, 384], sizes = [32, 128], strides = [1, 1]} : vector<32x2048xf32> to vector<32x128xf32>
    %slice3A_37 = vector.extract_strided_slice %get3A_10 {offsets = [0, 384], sizes = [32, 128], strides = [1, 1]} : vector<32x2048xf32> to vector<32x128xf32>
    %concatenate3A_38 = tpu.concatenate %slice3A_34, %slice3A_35, %slice3A_36, %slice3A_37 in 0 : vector<32x128xf32>, vector<32x128xf32>, vector<32x128xf32>, vector<32x128xf32> -> vector<128x128xf32>
    %transpose3A_39 = tpu.transpose %concatenate3A_38, [1, 0] : vector<128x128xf32> -> vector<128x128xf32>
    %swap3A_40 = arith.constant 384 : index
    %swap3A_41 = arith.constant 0 : index
    %swap3A_42 = vector.load %arg5[%swap3A_40, %swap3A_41] : memref<2048x128xf32, #tpu.memory_space<vmem>>, vector<128x128xf32>
    tpu.vector_store %arg5[%swap3A_40, %swap3A_41], %transpose3A_39 {strides = array<i32>} : memref<2048x128xf32, #tpu.memory_space<vmem>>, vector<128x128xf32>,
    %slice3A_43 = vector.extract_strided_slice %get3A_1 {offsets = [0, 512], sizes = [32, 128], strides = [1, 1]} : vector<32x2048xf32> to vector<32x128xf32>
    %slice3A_44 = vector.extract_strided_slice %get3A_4 {offsets = [0, 512], sizes = [32, 128], strides = [1, 1]} : vector<32x2048xf32> to vector<32x128xf32>
    %slice3A_45 = vector.extract_strided_slice %get3A_7 {offsets = [0, 512], sizes = [32, 128], strides = [1, 1]} : vector<32x2048xf32> to vector<32x128xf32>
    %slice3A_46 = vector.extract_strided_slice %get3A_10 {offsets = [0, 512], sizes = [32, 128], strides = [1, 1]} : vector<32x2048xf32> to vector<32x128xf32>
    %concatenate3A_47 = tpu.concatenate %slice3A_43, %slice3A_44, %slice3A_45, %slice3A_46 in 0 : vector<32x128xf32>, vector<32x128xf32>, vector<32x128xf32>, vector<32x128xf32> -> vector<128x128xf32>
    %transpose3A_48 = tpu.transpose %concatenate3A_47, [1, 0] : vector<128x128xf32> -> vector<128x128xf32>
    %swap3A_49 = arith.constant 512 : index
    %swap3A_50 = arith.constant 0 : index
    %swap3A_51 = vector.load %arg5[%swap3A_49, %swap3A_50] : memref<2048x128xf32, #tpu.memory_space<vmem>>, vector<128x128xf32>
    tpu.vector_store %arg5[%swap3A_49, %swap3A_50], %transpose3A_48 {strides = array<i32>} : memref<2048x128xf32, #tpu.memory_space<vmem>>, vector<128x128xf32>,
    %slice3A_52 = vector.extract_strided_slice %get3A_1 {offsets = [0, 640], sizes = [32, 128], strides = [1, 1]} : vector<32x2048xf32> to vector<32x128xf32>
    %slice3A_53 = vector.extract_strided_slice %get3A_4 {offsets = [0, 640], sizes = [32, 128], strides = [1, 1]} : vector<32x2048xf32> to vector<32x128xf32>
    %slice3A_54 = vector.extract_strided_slice %get3A_7 {offsets = [0, 640], sizes = [32, 128], strides = [1, 1]} : vector<32x2048xf32> to vector<32x128xf32>
    %slice3A_55 = vector.extract_strided_slice %get3A_10 {offsets = [0, 640], sizes = [32, 128], strides = [1, 1]} : vector<32x2048xf32> to vector<32x128xf32>
    %concatenate3A_56 = tpu.concatenate %slice3A_52, %slice3A_53, %slice3A_54, %slice3A_55 in 0 : vector<32x128xf32>, vector<32x128xf32>, vector<32x128xf32>, vector<32x128xf32> -> vector<128x128xf32>
    %transpose3A_57 = tpu.transpose %concatenate3A_56, [1, 0] : vector<128x128xf32> -> vector<128x128xf32>
    %swap3A_58 = arith.constant 640 : index
    %swap3A_59 = arith.constant 0 : index
    %swap3A_60 = vector.load %arg5[%swap3A_58, %swap3A_59] : memref<2048x128xf32, #tpu.memory_space<vmem>>, vector<128x128xf32>
    tpu.vector_store %arg5[%swap3A_58, %swap3A_59], %transpose3A_57 {strides = array<i32>} : memref<2048x128xf32, #tpu.memory_space<vmem>>, vector<128x128xf32>,
    %slice3A_61 = vector.extract_strided_slice %get3A_1 {offsets = [0, 768], sizes = [32, 128], strides = [1, 1]} : vector<32x2048xf32> to vector<32x128xf32>
    %slice3A_62 = vector.extract_strided_slice %get3A_4 {offsets = [0, 768], sizes = [32, 128], strides = [1, 1]} : vector<32x2048xf32> to vector<32x128xf32>
    %slice3A_63 = vector.extract_strided_slice %get3A_7 {offsets = [0, 768], sizes = [32, 128], strides = [1, 1]} : vector<32x2048xf32> to vector<32x128xf32>
    %slice3A_64 = vector.extract_strided_slice %get3A_10 {offsets = [0, 768], sizes = [32, 128], strides = [1, 1]} : vector<32x2048xf32> to vector<32x128xf32>
    %concatenate3A_65 = tpu.concatenate %slice3A_61, %slice3A_62, %slice3A_63, %slice3A_64 in 0 : vector<32x128xf32>, vector<32x128xf32>, vector<32x128xf32>, vector<32x128xf32> -> vector<128x128xf32>
    %transpose3A_66 = tpu.transpose %concatenate3A_65, [1, 0] : vector<128x128xf32> -> vector<128x128xf32>
    %swap3A_67 = arith.constant 768 : index
    %swap3A_68 = arith.constant 0 : index
    %swap3A_69 = vector.load %arg5[%swap3A_67, %swap3A_68] : memref<2048x128xf32, #tpu.memory_space<vmem>>, vector<128x128xf32>
    tpu.vector_store %arg5[%swap3A_67, %swap3A_68], %transpose3A_66 {strides = array<i32>} : memref<2048x128xf32, #tpu.memory_space<vmem>>, vector<128x128xf32>,
    %slice3A_70 = vector.extract_strided_slice %get3A_1 {offsets = [0, 896], sizes = [32, 128], strides = [1, 1]} : vector<32x2048xf32> to vector<32x128xf32>
    %slice3A_71 = vector.extract_strided_slice %get3A_4 {offsets = [0, 896], sizes = [32, 128], strides = [1, 1]} : vector<32x2048xf32> to vector<32x128xf32>
    %slice3A_72 = vector.extract_strided_slice %get3A_7 {offsets = [0, 896], sizes = [32, 128], strides = [1, 1]} : vector<32x2048xf32> to vector<32x128xf32>
    %slice3A_73 = vector.extract_strided_slice %get3A_10 {offsets = [0, 896], sizes = [32, 128], strides = [1, 1]} : vector<32x2048xf32> to vector<32x128xf32>
    %concatenate3A_74 = tpu.concatenate %slice3A_70, %slice3A_71, %slice3A_72, %slice3A_73 in 0 : vector<32x128xf32>, vector<32x128xf32>, vector<32x128xf32>, vector<32x128xf32> -> vector<128x128xf32>
    %transpose3A_75 = tpu.transpose %concatenate3A_74, [1, 0] : vector<128x128xf32> -> vector<128x128xf32>
    %swap3A_76 = arith.constant 896 : index
    %swap3A_77 = arith.constant 0 : index
    %swap3A_78 = vector.load %arg5[%swap3A_76, %swap3A_77] : memref<2048x128xf32, #tpu.memory_space<vmem>>, vector<128x128xf32>
    tpu.vector_store %arg5[%swap3A_76, %swap3A_77], %transpose3A_75 {strides = array<i32>} : memref<2048x128xf32, #tpu.memory_space<vmem>>, vector<128x128xf32>,
    %slice3A_79 = vector.extract_strided_slice %get3A_1 {offsets = [0, 1024], sizes = [32, 128], strides = [1, 1]} : vector<32x2048xf32> to vector<32x128xf32>
    %slice3A_80 = vector.extract_strided_slice %get3A_4 {offsets = [0, 1024], sizes = [32, 128], strides = [1, 1]} : vector<32x2048xf32> to vector<32x128xf32>
    %slice3A_81 = vector.extract_strided_slice %get3A_7 {offsets = [0, 1024], sizes = [32, 128], strides = [1, 1]} : vector<32x2048xf32> to vector<32x128xf32>
    %slice3A_82 = vector.extract_strided_slice %get3A_10 {offsets = [0, 1024], sizes = [32, 128], strides = [1, 1]} : vector<32x2048xf32> to vector<32x128xf32>
    %concatenate3A_83 = tpu.concatenate %slice3A_79, %slice3A_80, %slice3A_81, %slice3A_82 in 0 : vector<32x128xf32>, vector<32x128xf32>, vector<32x128xf32>, vector<32x128xf32> -> vector<128x128xf32>
    %transpose3A_84 = tpu.transpose %concatenate3A_83, [1, 0] : vector<128x128xf32> -> vector<128x128xf32>
    %swap3A_85 = arith.constant 1024 : index
    %swap3A_86 = arith.constant 0 : index
    %swap3A_87 = vector.load %arg5[%swap3A_85, %swap3A_86] : memref<2048x128xf32, #tpu.memory_space<vmem>>, vector<128x128xf32>
    tpu.vector_store %arg5[%swap3A_85, %swap3A_86], %transpose3A_84 {strides = array<i32>} : memref<2048x128xf32, #tpu.memory_space<vmem>>, vector<128x128xf32>,
    %slice3A_88 = vector.extract_strided_slice %get3A_1 {offsets = [0, 1152], sizes = [32, 128], strides = [1, 1]} : vector<32x2048xf32> to vector<32x128xf32>
    %slice3A_89 = vector.extract_strided_slice %get3A_4 {offsets = [0, 1152], sizes = [32, 128], strides = [1, 1]} : vector<32x2048xf32> to vector<32x128xf32>
    %slice3A_90 = vector.extract_strided_slice %get3A_7 {offsets = [0, 1152], sizes = [32, 128], strides = [1, 1]} : vector<32x2048xf32> to vector<32x128xf32>
    %slice3A_91 = vector.extract_strided_slice %get3A_10 {offsets = [0, 1152], sizes = [32, 128], strides = [1, 1]} : vector<32x2048xf32> to vector<32x128xf32>
    %concatenate3A_92 = tpu.concatenate %slice3A_88, %slice3A_89, %slice3A_90, %slice3A_91 in 0 : vector<32x128xf32>, vector<32x128xf32>, vector<32x128xf32>, vector<32x128xf32> -> vector<128x128xf32>
    %transpose3A_93 = tpu.transpose %concatenate3A_92, [1, 0] : vector<128x128xf32> -> vector<128x128xf32>
    %swap3A_94 = arith.constant 1152 : index
    %swap3A_95 = arith.constant 0 : index
    %swap3A_96 = vector.load %arg5[%swap3A_94, %swap3A_95] : memref<2048x128xf32, #tpu.memory_space<vmem>>, vector<128x128xf32>
    tpu.vector_store %arg5[%swap3A_94, %swap3A_95], %transpose3A_93 {strides = array<i32>} : memref<2048x128xf32, #tpu.memory_space<vmem>>, vector<128x128xf32>,
    %slice3A_97 = vector.extract_strided_slice %get3A_1 {offsets = [0, 1280], sizes = [32, 128], strides = [1, 1]} : vector<32x2048xf32> to vector<32x128xf32>
    %slice3A_98 = vector.extract_strided_slice %get3A_4 {offsets = [0, 1280], sizes = [32, 128], strides = [1, 1]} : vector<32x2048xf32> to vector<32x128xf32>
    %slice3A_99 = vector.extract_strided_slice %get3A_7 {offsets = [0, 1280], sizes = [32, 128], strides = [1, 1]} : vector<32x2048xf32> to vector<32x128xf32>
    %slice3A_100 = vector.extract_strided_slice %get3A_10 {offsets = [0, 1280], sizes = [32, 128], strides = [1, 1]} : vector<32x2048xf32> to vector<32x128xf32>
    %concatenate3A_101 = tpu.concatenate %slice3A_97, %slice3A_98, %slice3A_99, %slice3A_100 in 0 : vector<32x128xf32>, vector<32x128xf32>, vector<32x128xf32>, vector<32x128xf32> -> vector<128x128xf32>
    %transpose3A_102 = tpu.transpose %concatenate3A_101, [1, 0] : vector<128x128xf32> -> vector<128x128xf32>
    %swap3A_103 = arith.constant 1280 : index
    %swap3A_104 = arith.constant 0 : index
    %swap3A_105 = vector.load %arg5[%swap3A_103, %swap3A_104] : memref<2048x128xf32, #tpu.memory_space<vmem>>, vector<128x128xf32>
    tpu.vector_store %arg5[%swap3A_103, %swap3A_104], %transpose3A_102 {strides = array<i32>} : memref<2048x128xf32, #tpu.memory_space<vmem>>, vector<128x128xf32>,
    %slice3A_106 = vector.extract_strided_slice %get3A_1 {offsets = [0, 1408], sizes = [32, 128], strides = [1, 1]} : vector<32x2048xf32> to vector<32x128xf32>
    %slice3A_107 = vector.extract_strided_slice %get3A_4 {offsets = [0, 1408], sizes = [32, 128], strides = [1, 1]} : vector<32x2048xf32> to vector<32x128xf32>
    %slice3A_108 = vector.extract_strided_slice %get3A_7 {offsets = [0, 1408], sizes = [32, 128], strides = [1, 1]} : vector<32x2048xf32> to vector<32x128xf32>
    %slice3A_109 = vector.extract_strided_slice %get3A_10 {offsets = [0, 1408], sizes = [32, 128], strides = [1, 1]} : vector<32x2048xf32> to vector<32x128xf32>
    %concatenate3A_110 = tpu.concatenate %slice3A_106, %slice3A_107, %slice3A_108, %slice3A_109 in 0 : vector<32x128xf32>, vector<32x128xf32>, vector<32x128xf32>, vector<32x128xf32> -> vector<128x128xf32>
    %transpose3A_111 = tpu.transpose %concatenate3A_110, [1, 0] : vector<128x128xf32> -> vector<128x128xf32>
    %swap3A_112 = arith.constant 1408 : index
    %swap3A_113 = arith.constant 0 : index
    %swap3A_114 = vector.load %arg5[%swap3A_112, %swap3A_113] : memref<2048x128xf32, #tpu.memory_space<vmem>>, vector<128x128xf32>
    tpu.vector_store %arg5[%swap3A_112, %swap3A_113], %transpose3A_111 {strides = array<i32>} : memref<2048x128xf32, #tpu.memory_space<vmem>>, vector<128x128xf32>,
    %slice3A_115 = vector.extract_strided_slice %get3A_1 {offsets = [0, 1536], sizes = [32, 128], strides = [1, 1]} : vector<32x2048xf32> to vector<32x128xf32>
    %slice3A_116 = vector.extract_strided_slice %get3A_4 {offsets = [0, 1536], sizes = [32, 128], strides = [1, 1]} : vector<32x2048xf32> to vector<32x128xf32>
    %slice3A_117 = vector.extract_strided_slice %get3A_7 {offsets = [0, 1536], sizes = [32, 128], strides = [1, 1]} : vector<32x2048xf32> to vector<32x128xf32>
    %slice3A_118 = vector.extract_strided_slice %get3A_10 {offsets = [0, 1536], sizes = [32, 128], strides = [1, 1]} : vector<32x2048xf32> to vector<32x128xf32>
    %concatenate3A_119 = tpu.concatenate %slice3A_115, %slice3A_116, %slice3A_117, %slice3A_118 in 0 : vector<32x128xf32>, vector<32x128xf32>, vector<32x128xf32>, vector<32x128xf32> -> vector<128x128xf32>
    %transpose3A_120 = tpu.transpose %concatenate3A_119, [1, 0] : vector<128x128xf32> -> vector<128x128xf32>
    %swap3A_121 = arith.constant 1536 : index
    %swap3A_122 = arith.constant 0 : index
    %swap3A_123 = vector.load %arg5[%swap3A_121, %swap3A_122] : memref<2048x128xf32, #tpu.memory_space<vmem>>, vector<128x128xf32>
    tpu.vector_store %arg5[%swap3A_121, %swap3A_122], %transpose3A_120 {strides = array<i32>} : memref<2048x128xf32, #tpu.memory_space<vmem>>, vector<128x128xf32>,
    %slice3A_124 = vector.extract_strided_slice %get3A_1 {offsets = [0, 1664], sizes = [32, 128], strides = [1, 1]} : vector<32x2048xf32> to vector<32x128xf32>
    %slice3A_125 = vector.extract_strided_slice %get3A_4 {offsets = [0, 1664], sizes = [32, 128], strides = [1, 1]} : vector<32x2048xf32> to vector<32x128xf32>
    %slice3A_126 = vector.extract_strided_slice %get3A_7 {offsets = [0, 1664], sizes = [32, 128], strides = [1, 1]} : vector<32x2048xf32> to vector<32x128xf32>
    %slice3A_127 = vector.extract_strided_slice %get3A_10 {offsets = [0, 1664], sizes = [32, 128], strides = [1, 1]} : vector<32x2048xf32> to vector<32x128xf32>
    %concatenate3A_128 = tpu.concatenate %slice3A_124, %slice3A_125, %slice3A_126, %slice3A_127 in 0 : vector<32x128xf32>, vector<32x128xf32>, vector<32x128xf32>, vector<32x128xf32> -> vector<128x128xf32>
    %transpose3A_129 = tpu.transpose %concatenate3A_128, [1, 0] : vector<128x128xf32> -> vector<128x128xf32>
    %swap3A_130 = arith.constant 1664 : index
    %swap3A_131 = arith.constant 0 : index
    %swap3A_132 = vector.load %arg5[%swap3A_130, %swap3A_131] : memref<2048x128xf32, #tpu.memory_space<vmem>>, vector<128x128xf32>
    tpu.vector_store %arg5[%swap3A_130, %swap3A_131], %transpose3A_129 {strides = array<i32>} : memref<2048x128xf32, #tpu.memory_space<vmem>>, vector<128x128xf32>,
    %slice3A_133 = vector.extract_strided_slice %get3A_1 {offsets = [0, 1792], sizes = [32, 128], strides = [1, 1]} : vector<32x2048xf32> to vector<32x128xf32>
    %slice3A_134 = vector.extract_strided_slice %get3A_4 {offsets = [0, 1792], sizes = [32, 128], strides = [1, 1]} : vector<32x2048xf32> to vector<32x128xf32>
    %slice3A_135 = vector.extract_strided_slice %get3A_7 {offsets = [0, 1792], sizes = [32, 128], strides = [1, 1]} : vector<32x2048xf32> to vector<32x128xf32>
    %slice3A_136 = vector.extract_strided_slice %get3A_10 {offsets = [0, 1792], sizes = [32, 128], strides = [1, 1]} : vector<32x2048xf32> to vector<32x128xf32>
    %concatenate3A_137 = tpu.concatenate %slice3A_133, %slice3A_134, %slice3A_135, %slice3A_136 in 0 : vector<32x128xf32>, vector<32x128xf32>, vector<32x128xf32>, vector<32x128xf32> -> vector<128x128xf32>
    %transpose3A_138 = tpu.transpose %concatenate3A_137, [1, 0] : vector<128x128xf32> -> vector<128x128xf32>
    %swap3A_139 = arith.constant 1792 : index
    %swap3A_140 = arith.constant 0 : index
    %swap3A_141 = vector.load %arg5[%swap3A_139, %swap3A_140] : memref<2048x128xf32, #tpu.memory_space<vmem>>, vector<128x128xf32>
    tpu.vector_store %arg5[%swap3A_139, %swap3A_140], %transpose3A_138 {strides = array<i32>} : memref<2048x128xf32, #tpu.memory_space<vmem>>, vector<128x128xf32>,
    %slice3A_142 = vector.extract_strided_slice %get3A_1 {offsets = [0, 1920], sizes = [32, 128], strides = [1, 1]} : vector<32x2048xf32> to vector<32x128xf32>
    %slice3A_143 = vector.extract_strided_slice %get3A_4 {offsets = [0, 1920], sizes = [32, 128], strides = [1, 1]} : vector<32x2048xf32> to vector<32x128xf32>
    %slice3A_144 = vector.extract_strided_slice %get3A_7 {offsets = [0, 1920], sizes = [32, 128], strides = [1, 1]} : vector<32x2048xf32> to vector<32x128xf32>
    %slice3A_145 = vector.extract_strided_slice %get3A_10 {offsets = [0, 1920], sizes = [32, 128], strides = [1, 1]} : vector<32x2048xf32> to vector<32x128xf32>
    %concatenate3A_146 = tpu.concatenate %slice3A_142, %slice3A_143, %slice3A_144, %slice3A_145 in 0 : vector<32x128xf32>, vector<32x128xf32>, vector<32x128xf32>, vector<32x128xf32> -> vector<128x128xf32>
    %transpose3A_147 = tpu.transpose %concatenate3A_146, [1, 0] : vector<128x128xf32> -> vector<128x128xf32>
    %swap3A_148 = arith.constant 1920 : index
    %swap3A_149 = arith.constant 0 : index
    %swap3A_150 = vector.load %arg5[%swap3A_148, %swap3A_149] : memref<2048x128xf32, #tpu.memory_space<vmem>>, vector<128x128xf32>
    tpu.vector_store %arg5[%swap3A_148, %swap3A_149], %transpose3A_147 {strides = array<i32>} : memref<2048x128xf32, #tpu.memory_space<vmem>>, vector<128x128xf32>,
    return
  }
  func.func @transform_0(%arg0: i32) -> (i32, i32) {
    %add3A = arith.constant 0 : i32
    %add3A_0 = arith.addi %add3A, %arg0 : i32
    %min3A = arith.constant 488 : i32
    %min3A_1 = arith.minsi %add3A_0, %min3A : i32
    %c0_i32 = arith.constant 0 : i32
    %c0_i32_2 = arith.constant 0 : i32
    return %c0_i32, %min3A_1 : i32, i32
  }
  func.func @transform_1(%arg0: i32) -> (i32, i32) {
    %add3A = arith.constant 128 : i32
    %add3A_0 = arith.addi %add3A, %arg0 : i32
    %min3A = arith.constant 488 : i32
    %min3A_1 = arith.minsi %add3A_0, %min3A : i32
    %c0_i32 = arith.constant 0 : i32
    %c0_i32_2 = arith.constant 0 : i32
    return %c0_i32, %min3A_1 : i32, i32
  }
  func.func @transform_2(%arg0: i32) -> (i32, i32) {
    %add3A = arith.constant 256 : i32
    %add3A_0 = arith.addi %add3A, %arg0 : i32
    %min3A = arith.constant 488 : i32
    %min3A_1 = arith.minsi %add3A_0, %min3A : i32
    %c0_i32 = arith.constant 0 : i32
    %c0_i32_2 = arith.constant 0 : i32
    return %c0_i32, %min3A_1 : i32, i32
  }
  func.func @transform_3(%arg0: i32) -> (i32, i32) {
    %add3A = arith.constant 384 : i32
    %add3A_0 = arith.addi %add3A, %arg0 : i32
    %min3A = arith.constant 488 : i32
    %min3A_1 = arith.minsi %add3A_0, %min3A : i32
    %c0_i32 = arith.constant 0 : i32
    %c0_i32_2 = arith.constant 0 : i32
    return %c0_i32, %min3A_1 : i32, i32
  }
  func.func @transform_4(%arg0: i32) -> (i32, i32) {
    %c0_i32 = arith.constant 0 : i32
    %c0_i32_0 = arith.constant 0 : i32
    return %arg0, %c0_i32 : i32, i32
  }
}

module attributes {stable_mosaic.version = 14 : i64} {
  func.func @body(%arg0: i32, %arg1: memref<6400x128xf32, #tpu.memory_space<vmem>>, %arg2: memref<200x4x1x8x128xf32, #tpu.memory_space<vmem>>) attributes {dimension_semantics = [#tpu.dimension_semantics<arbitrary>], iteration_bounds = array<i64: 32>, scalar_prefetch = 0 : i64, scratch_operands = 0 : i64, tpu.core_type = #tpu.core_type<tc>, window_params = [{transform_indices = @transform_0, window_bounds = array<i64: 6400, 128>}, {transform_indices = @transform_1, window_bounds = array<i64: 200, 4, 1, 8, 128>}]} {
    %get3A = arith.constant 0 : index
    %get3A_0 = arith.constant 0 : index
    %get3A_1 = vector.load %arg1[%get3A, %get3A_0] : memref<6400x128xf32, #tpu.memory_space<vmem>>, vector<6400x128xf32>
    %reshape3A = vector.shape_cast %get3A_1 : vector<6400x128xf32> to vector<128x50x128xf32>
    %slice3A = vector.extract_strided_slice %reshape3A {offsets = [0, 0, 0], sizes = [128, 1, 128], strides = [1, 1, 1]} : vector<128x50x128xf32> to vector<128x1x128xf32>
    %squeeze3A = vector.shape_cast %slice3A : vector<128x1x128xf32> to vector<128x128xf32>
    %transpose3A = tpu.transpose %squeeze3A, [1, 0] : vector<128x128xf32> -> vector<128x128xf32>
    %reshape3A_2 = vector.shape_cast %transpose3A : vector<128x128xf32> to vector<4x4x8x128xf32>
    %swap3A = arith.constant 0 : index
    %swap3A_3 = arith.constant 0 : index
    %swap3A_4 = arith.constant 0 : index
    %swap3A_5 = arith.constant 0 : index
    %swap3A_6 = arith.constant 0 : index
    %swap3A_7 = vector.load %arg2[%swap3A, %swap3A_3, %swap3A_4, %swap3A_5, %swap3A_6] : memref<200x4x1x8x128xf32, #tpu.memory_space<vmem>>, vector<4x4x1x8x128xf32>
    %swap3A_8 = vector.shape_cast %swap3A_7 : vector<4x4x1x8x128xf32> to vector<4x4x8x128xf32>
    %swap3A_9 = vector.shape_cast %reshape3A_2 : vector<4x4x8x128xf32> to vector<4x4x1x8x128xf32>
    tpu.vector_store %arg2[%swap3A, %swap3A_3, %swap3A_4, %swap3A_5, %swap3A_6], %swap3A_9 {strides = array<i32>} : memref<200x4x1x8x128xf32, #tpu.memory_space<vmem>>, vector<4x4x1x8x128xf32>,
    %slice3A_10 = vector.extract_strided_slice %reshape3A {offsets = [0, 1, 0], sizes = [128, 1, 128], strides = [1, 1, 1]} : vector<128x50x128xf32> to vector<128x1x128xf32>
    %squeeze3A_11 = vector.shape_cast %slice3A_10 : vector<128x1x128xf32> to vector<128x128xf32>
    %transpose3A_12 = tpu.transpose %squeeze3A_11, [1, 0] : vector<128x128xf32> -> vector<128x128xf32>
    %reshape3A_13 = vector.shape_cast %transpose3A_12 : vector<128x128xf32> to vector<4x4x8x128xf32>
    %swap3A_14 = arith.constant 4 : index
    %swap3A_15 = arith.constant 0 : index
    %swap3A_16 = arith.constant 0 : index
    %swap3A_17 = arith.constant 0 : index
    %swap3A_18 = arith.constant 0 : index
    %swap3A_19 = vector.load %arg2[%swap3A_14, %swap3A_15, %swap3A_16, %swap3A_17, %swap3A_18] : memref<200x4x1x8x128xf32, #tpu.memory_space<vmem>>, vector<4x4x1x8x128xf32>
    %swap3A_20 = vector.shape_cast %swap3A_19 : vector<4x4x1x8x128xf32> to vector<4x4x8x128xf32>
    %swap3A_21 = vector.shape_cast %reshape3A_13 : vector<4x4x8x128xf32> to vector<4x4x1x8x128xf32>
    tpu.vector_store %arg2[%swap3A_14, %swap3A_15, %swap3A_16, %swap3A_17, %swap3A_18], %swap3A_21 {strides = array<i32>} : memref<200x4x1x8x128xf32, #tpu.memory_space<vmem>>, vector<4x4x1x8x128xf32>,
    %slice3A_22 = vector.extract_strided_slice %reshape3A {offsets = [0, 2, 0], sizes = [128, 1, 128], strides = [1, 1, 1]} : vector<128x50x128xf32> to vector<128x1x128xf32>
    %squeeze3A_23 = vector.shape_cast %slice3A_22 : vector<128x1x128xf32> to vector<128x128xf32>
    %transpose3A_24 = tpu.transpose %squeeze3A_23, [1, 0] : vector<128x128xf32> -> vector<128x128xf32>
    %reshape3A_25 = vector.shape_cast %transpose3A_24 : vector<128x128xf32> to vector<4x4x8x128xf32>
    %swap3A_26 = arith.constant 8 : index
    %swap3A_27 = arith.constant 0 : index
    %swap3A_28 = arith.constant 0 : index
    %swap3A_29 = arith.constant 0 : index
    %swap3A_30 = arith.constant 0 : index
    %swap3A_31 = vector.load %arg2[%swap3A_26, %swap3A_27, %swap3A_28, %swap3A_29, %swap3A_30] : memref<200x4x1x8x128xf32, #tpu.memory_space<vmem>>, vector<4x4x1x8x128xf32>
    %swap3A_32 = vector.shape_cast %swap3A_31 : vector<4x4x1x8x128xf32> to vector<4x4x8x128xf32>
    %swap3A_33 = vector.shape_cast %reshape3A_25 : vector<4x4x8x128xf32> to vector<4x4x1x8x128xf32>
    tpu.vector_store %arg2[%swap3A_26, %swap3A_27, %swap3A_28, %swap3A_29, %swap3A_30], %swap3A_33 {strides = array<i32>} : memref<200x4x1x8x128xf32, #tpu.memory_space<vmem>>, vector<4x4x1x8x128xf32>,
    %slice3A_34 = vector.extract_strided_slice %reshape3A {offsets = [0, 3, 0], sizes = [128, 1, 128], strides = [1, 1, 1]} : vector<128x50x128xf32> to vector<128x1x128xf32>
    %squeeze3A_35 = vector.shape_cast %slice3A_34 : vector<128x1x128xf32> to vector<128x128xf32>
    %transpose3A_36 = tpu.transpose %squeeze3A_35, [1, 0] : vector<128x128xf32> -> vector<128x128xf32>
    %reshape3A_37 = vector.shape_cast %transpose3A_36 : vector<128x128xf32> to vector<4x4x8x128xf32>
    %swap3A_38 = arith.constant 12 : index
    %swap3A_39 = arith.constant 0 : index
    %swap3A_40 = arith.constant 0 : index
    %swap3A_41 = arith.constant 0 : index
    %swap3A_42 = arith.constant 0 : index
    %swap3A_43 = vector.load %arg2[%swap3A_38, %swap3A_39, %swap3A_40, %swap3A_41, %swap3A_42] : memref<200x4x1x8x128xf32, #tpu.memory_space<vmem>>, vector<4x4x1x8x128xf32>
    %swap3A_44 = vector.shape_cast %swap3A_43 : vector<4x4x1x8x128xf32> to vector<4x4x8x128xf32>
    %swap3A_45 = vector.shape_cast %reshape3A_37 : vector<4x4x8x128xf32> to vector<4x4x1x8x128xf32>
    tpu.vector_store %arg2[%swap3A_38, %swap3A_39, %swap3A_40, %swap3A_41, %swap3A_42], %swap3A_45 {strides = array<i32>} : memref<200x4x1x8x128xf32, #tpu.memory_space<vmem>>, vector<4x4x1x8x128xf32>,
    %slice3A_46 = vector.extract_strided_slice %reshape3A {offsets = [0, 4, 0], sizes = [128, 1, 128], strides = [1, 1, 1]} : vector<128x50x128xf32> to vector<128x1x128xf32>
    %squeeze3A_47 = vector.shape_cast %slice3A_46 : vector<128x1x128xf32> to vector<128x128xf32>
    %transpose3A_48 = tpu.transpose %squeeze3A_47, [1, 0] : vector<128x128xf32> -> vector<128x128xf32>
    %reshape3A_49 = vector.shape_cast %transpose3A_48 : vector<128x128xf32> to vector<4x4x8x128xf32>
    %swap3A_50 = arith.constant 16 : index
    %swap3A_51 = arith.constant 0 : index
    %swap3A_52 = arith.constant 0 : index
    %swap3A_53 = arith.constant 0 : index
    %swap3A_54 = arith.constant 0 : index
    %swap3A_55 = vector.load %arg2[%swap3A_50, %swap3A_51, %swap3A_52, %swap3A_53, %swap3A_54] : memref<200x4x1x8x128xf32, #tpu.memory_space<vmem>>, vector<4x4x1x8x128xf32>
    %swap3A_56 = vector.shape_cast %swap3A_55 : vector<4x4x1x8x128xf32> to vector<4x4x8x128xf32>
    %swap3A_57 = vector.shape_cast %reshape3A_49 : vector<4x4x8x128xf32> to vector<4x4x1x8x128xf32>
    tpu.vector_store %arg2[%swap3A_50, %swap3A_51, %swap3A_52, %swap3A_53, %swap3A_54], %swap3A_57 {strides = array<i32>} : memref<200x4x1x8x128xf32, #tpu.memory_space<vmem>>, vector<4x4x1x8x128xf32>,
    %slice3A_58 = vector.extract_strided_slice %reshape3A {offsets = [0, 5, 0], sizes = [128, 1, 128], strides = [1, 1, 1]} : vector<128x50x128xf32> to vector<128x1x128xf32>
    %squeeze3A_59 = vector.shape_cast %slice3A_58 : vector<128x1x128xf32> to vector<128x128xf32>
    %transpose3A_60 = tpu.transpose %squeeze3A_59, [1, 0] : vector<128x128xf32> -> vector<128x128xf32>
    %reshape3A_61 = vector.shape_cast %transpose3A_60 : vector<128x128xf32> to vector<4x4x8x128xf32>
    %swap3A_62 = arith.constant 20 : index
    %swap3A_63 = arith.constant 0 : index
    %swap3A_64 = arith.constant 0 : index
    %swap3A_65 = arith.constant 0 : index
    %swap3A_66 = arith.constant 0 : index
    %swap3A_67 = vector.load %arg2[%swap3A_62, %swap3A_63, %swap3A_64, %swap3A_65, %swap3A_66] : memref<200x4x1x8x128xf32, #tpu.memory_space<vmem>>, vector<4x4x1x8x128xf32>
    %swap3A_68 = vector.shape_cast %swap3A_67 : vector<4x4x1x8x128xf32> to vector<4x4x8x128xf32>
    %swap3A_69 = vector.shape_cast %reshape3A_61 : vector<4x4x8x128xf32> to vector<4x4x1x8x128xf32>
    tpu.vector_store %arg2[%swap3A_62, %swap3A_63, %swap3A_64, %swap3A_65, %swap3A_66], %swap3A_69 {strides = array<i32>} : memref<200x4x1x8x128xf32, #tpu.memory_space<vmem>>, vector<4x4x1x8x128xf32>,
    %slice3A_70 = vector.extract_strided_slice %reshape3A {offsets = [0, 6, 0], sizes = [128, 1, 128], strides = [1, 1, 1]} : vector<128x50x128xf32> to vector<128x1x128xf32>
    %squeeze3A_71 = vector.shape_cast %slice3A_70 : vector<128x1x128xf32> to vector<128x128xf32>
    %transpose3A_72 = tpu.transpose %squeeze3A_71, [1, 0] : vector<128x128xf32> -> vector<128x128xf32>
    %reshape3A_73 = vector.shape_cast %transpose3A_72 : vector<128x128xf32> to vector<4x4x8x128xf32>
    %swap3A_74 = arith.constant 24 : index
    %swap3A_75 = arith.constant 0 : index
    %swap3A_76 = arith.constant 0 : index
    %swap3A_77 = arith.constant 0 : index
    %swap3A_78 = arith.constant 0 : index
    %swap3A_79 = vector.load %arg2[%swap3A_74, %swap3A_75, %swap3A_76, %swap3A_77, %swap3A_78] : memref<200x4x1x8x128xf32, #tpu.memory_space<vmem>>, vector<4x4x1x8x128xf32>
    %swap3A_80 = vector.shape_cast %swap3A_79 : vector<4x4x1x8x128xf32> to vector<4x4x8x128xf32>
    %swap3A_81 = vector.shape_cast %reshape3A_73 : vector<4x4x8x128xf32> to vector<4x4x1x8x128xf32>
    tpu.vector_store %arg2[%swap3A_74, %swap3A_75, %swap3A_76, %swap3A_77, %swap3A_78], %swap3A_81 {strides = array<i32>} : memref<200x4x1x8x128xf32, #tpu.memory_space<vmem>>, vector<4x4x1x8x128xf32>,
    %slice3A_82 = vector.extract_strided_slice %reshape3A {offsets = [0, 7, 0], sizes = [128, 1, 128], strides = [1, 1, 1]} : vector<128x50x128xf32> to vector<128x1x128xf32>
    %squeeze3A_83 = vector.shape_cast %slice3A_82 : vector<128x1x128xf32> to vector<128x128xf32>
    %transpose3A_84 = tpu.transpose %squeeze3A_83, [1, 0] : vector<128x128xf32> -> vector<128x128xf32>
    %reshape3A_85 = vector.shape_cast %transpose3A_84 : vector<128x128xf32> to vector<4x4x8x128xf32>
    %swap3A_86 = arith.constant 28 : index
    %swap3A_87 = arith.constant 0 : index
    %swap3A_88 = arith.constant 0 : index
    %swap3A_89 = arith.constant 0 : index
    %swap3A_90 = arith.constant 0 : index
    %swap3A_91 = vector.load %arg2[%swap3A_86, %swap3A_87, %swap3A_88, %swap3A_89, %swap3A_90] : memref<200x4x1x8x128xf32, #tpu.memory_space<vmem>>, vector<4x4x1x8x128xf32>
    %swap3A_92 = vector.shape_cast %swap3A_91 : vector<4x4x1x8x128xf32> to vector<4x4x8x128xf32>
    %swap3A_93 = vector.shape_cast %reshape3A_85 : vector<4x4x8x128xf32> to vector<4x4x1x8x128xf32>
    tpu.vector_store %arg2[%swap3A_86, %swap3A_87, %swap3A_88, %swap3A_89, %swap3A_90], %swap3A_93 {strides = array<i32>} : memref<200x4x1x8x128xf32, #tpu.memory_space<vmem>>, vector<4x4x1x8x128xf32>,
    %slice3A_94 = vector.extract_strided_slice %reshape3A {offsets = [0, 8, 0], sizes = [128, 1, 128], strides = [1, 1, 1]} : vector<128x50x128xf32> to vector<128x1x128xf32>
    %squeeze3A_95 = vector.shape_cast %slice3A_94 : vector<128x1x128xf32> to vector<128x128xf32>
    %transpose3A_96 = tpu.transpose %squeeze3A_95, [1, 0] : vector<128x128xf32> -> vector<128x128xf32>
    %reshape3A_97 = vector.shape_cast %transpose3A_96 : vector<128x128xf32> to vector<4x4x8x128xf32>
    %swap3A_98 = arith.constant 32 : index
    %swap3A_99 = arith.constant 0 : index
    %swap3A_100 = arith.constant 0 : index
    %swap3A_101 = arith.constant 0 : index
    %swap3A_102 = arith.constant 0 : index
    %swap3A_103 = vector.load %arg2[%swap3A_98, %swap3A_99, %swap3A_100, %swap3A_101, %swap3A_102] : memref<200x4x1x8x128xf32, #tpu.memory_space<vmem>>, vector<4x4x1x8x128xf32>
    %swap3A_104 = vector.shape_cast %swap3A_103 : vector<4x4x1x8x128xf32> to vector<4x4x8x128xf32>
    %swap3A_105 = vector.shape_cast %reshape3A_97 : vector<4x4x8x128xf32> to vector<4x4x1x8x128xf32>
    tpu.vector_store %arg2[%swap3A_98, %swap3A_99, %swap3A_100, %swap3A_101, %swap3A_102], %swap3A_105 {strides = array<i32>} : memref<200x4x1x8x128xf32, #tpu.memory_space<vmem>>, vector<4x4x1x8x128xf32>,
    %slice3A_106 = vector.extract_strided_slice %reshape3A {offsets = [0, 9, 0], sizes = [128, 1, 128], strides = [1, 1, 1]} : vector<128x50x128xf32> to vector<128x1x128xf32>
    %squeeze3A_107 = vector.shape_cast %slice3A_106 : vector<128x1x128xf32> to vector<128x128xf32>
    %transpose3A_108 = tpu.transpose %squeeze3A_107, [1, 0] : vector<128x128xf32> -> vector<128x128xf32>
    %reshape3A_109 = vector.shape_cast %transpose3A_108 : vector<128x128xf32> to vector<4x4x8x128xf32>
    %swap3A_110 = arith.constant 36 : index
    %swap3A_111 = arith.constant 0 : index
    %swap3A_112 = arith.constant 0 : index
    %swap3A_113 = arith.constant 0 : index
    %swap3A_114 = arith.constant 0 : index
    %swap3A_115 = vector.load %arg2[%swap3A_110, %swap3A_111, %swap3A_112, %swap3A_113, %swap3A_114] : memref<200x4x1x8x128xf32, #tpu.memory_space<vmem>>, vector<4x4x1x8x128xf32>
    %swap3A_116 = vector.shape_cast %swap3A_115 : vector<4x4x1x8x128xf32> to vector<4x4x8x128xf32>
    %swap3A_117 = vector.shape_cast %reshape3A_109 : vector<4x4x8x128xf32> to vector<4x4x1x8x128xf32>
    tpu.vector_store %arg2[%swap3A_110, %swap3A_111, %swap3A_112, %swap3A_113, %swap3A_114], %swap3A_117 {strides = array<i32>} : memref<200x4x1x8x128xf32, #tpu.memory_space<vmem>>, vector<4x4x1x8x128xf32>,
    %slice3A_118 = vector.extract_strided_slice %reshape3A {offsets = [0, 10, 0], sizes = [128, 1, 128], strides = [1, 1, 1]} : vector<128x50x128xf32> to vector<128x1x128xf32>
    %squeeze3A_119 = vector.shape_cast %slice3A_118 : vector<128x1x128xf32> to vector<128x128xf32>
    %transpose3A_120 = tpu.transpose %squeeze3A_119, [1, 0] : vector<128x128xf32> -> vector<128x128xf32>
    %reshape3A_121 = vector.shape_cast %transpose3A_120 : vector<128x128xf32> to vector<4x4x8x128xf32>
    %swap3A_122 = arith.constant 40 : index
    %swap3A_123 = arith.constant 0 : index
    %swap3A_124 = arith.constant 0 : index
    %swap3A_125 = arith.constant 0 : index
    %swap3A_126 = arith.constant 0 : index
    %swap3A_127 = vector.load %arg2[%swap3A_122, %swap3A_123, %swap3A_124, %swap3A_125, %swap3A_126] : memref<200x4x1x8x128xf32, #tpu.memory_space<vmem>>, vector<4x4x1x8x128xf32>
    %swap3A_128 = vector.shape_cast %swap3A_127 : vector<4x4x1x8x128xf32> to vector<4x4x8x128xf32>
    %swap3A_129 = vector.shape_cast %reshape3A_121 : vector<4x4x8x128xf32> to vector<4x4x1x8x128xf32>
    tpu.vector_store %arg2[%swap3A_122, %swap3A_123, %swap3A_124, %swap3A_125, %swap3A_126], %swap3A_129 {strides = array<i32>} : memref<200x4x1x8x128xf32, #tpu.memory_space<vmem>>, vector<4x4x1x8x128xf32>,
    %slice3A_130 = vector.extract_strided_slice %reshape3A {offsets = [0, 11, 0], sizes = [128, 1, 128], strides = [1, 1, 1]} : vector<128x50x128xf32> to vector<128x1x128xf32>
    %squeeze3A_131 = vector.shape_cast %slice3A_130 : vector<128x1x128xf32> to vector<128x128xf32>
    %transpose3A_132 = tpu.transpose %squeeze3A_131, [1, 0] : vector<128x128xf32> -> vector<128x128xf32>
    %reshape3A_133 = vector.shape_cast %transpose3A_132 : vector<128x128xf32> to vector<4x4x8x128xf32>
    %swap3A_134 = arith.constant 44 : index
    %swap3A_135 = arith.constant 0 : index
    %swap3A_136 = arith.constant 0 : index
    %swap3A_137 = arith.constant 0 : index
    %swap3A_138 = arith.constant 0 : index
    %swap3A_139 = vector.load %arg2[%swap3A_134, %swap3A_135, %swap3A_136, %swap3A_137, %swap3A_138] : memref<200x4x1x8x128xf32, #tpu.memory_space<vmem>>, vector<4x4x1x8x128xf32>
    %swap3A_140 = vector.shape_cast %swap3A_139 : vector<4x4x1x8x128xf32> to vector<4x4x8x128xf32>
    %swap3A_141 = vector.shape_cast %reshape3A_133 : vector<4x4x8x128xf32> to vector<4x4x1x8x128xf32>
    tpu.vector_store %arg2[%swap3A_134, %swap3A_135, %swap3A_136, %swap3A_137, %swap3A_138], %swap3A_141 {strides = array<i32>} : memref<200x4x1x8x128xf32, #tpu.memory_space<vmem>>, vector<4x4x1x8x128xf32>,
    %slice3A_142 = vector.extract_strided_slice %reshape3A {offsets = [0, 12, 0], sizes = [128, 1, 128], strides = [1, 1, 1]} : vector<128x50x128xf32> to vector<128x1x128xf32>
    %squeeze3A_143 = vector.shape_cast %slice3A_142 : vector<128x1x128xf32> to vector<128x128xf32>
    %transpose3A_144 = tpu.transpose %squeeze3A_143, [1, 0] : vector<128x128xf32> -> vector<128x128xf32>
    %reshape3A_145 = vector.shape_cast %transpose3A_144 : vector<128x128xf32> to vector<4x4x8x128xf32>
    %swap3A_146 = arith.constant 48 : index
    %swap3A_147 = arith.constant 0 : index
    %swap3A_148 = arith.constant 0 : index
    %swap3A_149 = arith.constant 0 : index
    %swap3A_150 = arith.constant 0 : index
    %swap3A_151 = vector.load %arg2[%swap3A_146, %swap3A_147, %swap3A_148, %swap3A_149, %swap3A_150] : memref<200x4x1x8x128xf32, #tpu.memory_space<vmem>>, vector<4x4x1x8x128xf32>
    %swap3A_152 = vector.shape_cast %swap3A_151 : vector<4x4x1x8x128xf32> to vector<4x4x8x128xf32>
    %swap3A_153 = vector.shape_cast %reshape3A_145 : vector<4x4x8x128xf32> to vector<4x4x1x8x128xf32>
    tpu.vector_store %arg2[%swap3A_146, %swap3A_147, %swap3A_148, %swap3A_149, %swap3A_150], %swap3A_153 {strides = array<i32>} : memref<200x4x1x8x128xf32, #tpu.memory_space<vmem>>, vector<4x4x1x8x128xf32>,
    %slice3A_154 = vector.extract_strided_slice %reshape3A {offsets = [0, 13, 0], sizes = [128, 1, 128], strides = [1, 1, 1]} : vector<128x50x128xf32> to vector<128x1x128xf32>
    %squeeze3A_155 = vector.shape_cast %slice3A_154 : vector<128x1x128xf32> to vector<128x128xf32>
    %transpose3A_156 = tpu.transpose %squeeze3A_155, [1, 0] : vector<128x128xf32> -> vector<128x128xf32>
    %reshape3A_157 = vector.shape_cast %transpose3A_156 : vector<128x128xf32> to vector<4x4x8x128xf32>
    %swap3A_158 = arith.constant 52 : index
    %swap3A_159 = arith.constant 0 : index
    %swap3A_160 = arith.constant 0 : index
    %swap3A_161 = arith.constant 0 : index
    %swap3A_162 = arith.constant 0 : index
    %swap3A_163 = vector.load %arg2[%swap3A_158, %swap3A_159, %swap3A_160, %swap3A_161, %swap3A_162] : memref<200x4x1x8x128xf32, #tpu.memory_space<vmem>>, vector<4x4x1x8x128xf32>
    %swap3A_164 = vector.shape_cast %swap3A_163 : vector<4x4x1x8x128xf32> to vector<4x4x8x128xf32>
    %swap3A_165 = vector.shape_cast %reshape3A_157 : vector<4x4x8x128xf32> to vector<4x4x1x8x128xf32>
    tpu.vector_store %arg2[%swap3A_158, %swap3A_159, %swap3A_160, %swap3A_161, %swap3A_162], %swap3A_165 {strides = array<i32>} : memref<200x4x1x8x128xf32, #tpu.memory_space<vmem>>, vector<4x4x1x8x128xf32>,
    %slice3A_166 = vector.extract_strided_slice %reshape3A {offsets = [0, 14, 0], sizes = [128, 1, 128], strides = [1, 1, 1]} : vector<128x50x128xf32> to vector<128x1x128xf32>
    %squeeze3A_167 = vector.shape_cast %slice3A_166 : vector<128x1x128xf32> to vector<128x128xf32>
    %transpose3A_168 = tpu.transpose %squeeze3A_167, [1, 0] : vector<128x128xf32> -> vector<128x128xf32>
    %reshape3A_169 = vector.shape_cast %transpose3A_168 : vector<128x128xf32> to vector<4x4x8x128xf32>
    %swap3A_170 = arith.constant 56 : index
    %swap3A_171 = arith.constant 0 : index
    %swap3A_172 = arith.constant 0 : index
    %swap3A_173 = arith.constant 0 : index
    %swap3A_174 = arith.constant 0 : index
    %swap3A_175 = vector.load %arg2[%swap3A_170, %swap3A_171, %swap3A_172, %swap3A_173, %swap3A_174] : memref<200x4x1x8x128xf32, #tpu.memory_space<vmem>>, vector<4x4x1x8x128xf32>
    %swap3A_176 = vector.shape_cast %swap3A_175 : vector<4x4x1x8x128xf32> to vector<4x4x8x128xf32>
    %swap3A_177 = vector.shape_cast %reshape3A_169 : vector<4x4x8x128xf32> to vector<4x4x1x8x128xf32>
    tpu.vector_store %arg2[%swap3A_170, %swap3A_171, %swap3A_172, %swap3A_173, %swap3A_174], %swap3A_177 {strides = array<i32>} : memref<200x4x1x8x128xf32, #tpu.memory_space<vmem>>, vector<4x4x1x8x128xf32>,
    %slice3A_178 = vector.extract_strided_slice %reshape3A {offsets = [0, 15, 0], sizes = [128, 1, 128], strides = [1, 1, 1]} : vector<128x50x128xf32> to vector<128x1x128xf32>
    %squeeze3A_179 = vector.shape_cast %slice3A_178 : vector<128x1x128xf32> to vector<128x128xf32>
    %transpose3A_180 = tpu.transpose %squeeze3A_179, [1, 0] : vector<128x128xf32> -> vector<128x128xf32>
    %reshape3A_181 = vector.shape_cast %transpose3A_180 : vector<128x128xf32> to vector<4x4x8x128xf32>
    %swap3A_182 = arith.constant 60 : index
    %swap3A_183 = arith.constant 0 : index
    %swap3A_184 = arith.constant 0 : index
    %swap3A_185 = arith.constant 0 : index
    %swap3A_186 = arith.constant 0 : index
    %swap3A_187 = vector.load %arg2[%swap3A_182, %swap3A_183, %swap3A_184, %swap3A_185, %swap3A_186] : memref<200x4x1x8x128xf32, #tpu.memory_space<vmem>>, vector<4x4x1x8x128xf32>
    %swap3A_188 = vector.shape_cast %swap3A_187 : vector<4x4x1x8x128xf32> to vector<4x4x8x128xf32>
    %swap3A_189 = vector.shape_cast %reshape3A_181 : vector<4x4x8x128xf32> to vector<4x4x1x8x128xf32>
    tpu.vector_store %arg2[%swap3A_182, %swap3A_183, %swap3A_184, %swap3A_185, %swap3A_186], %swap3A_189 {strides = array<i32>} : memref<200x4x1x8x128xf32, #tpu.memory_space<vmem>>, vector<4x4x1x8x128xf32>,
    %slice3A_190 = vector.extract_strided_slice %reshape3A {offsets = [0, 16, 0], sizes = [128, 1, 128], strides = [1, 1, 1]} : vector<128x50x128xf32> to vector<128x1x128xf32>
    %squeeze3A_191 = vector.shape_cast %slice3A_190 : vector<128x1x128xf32> to vector<128x128xf32>
    %transpose3A_192 = tpu.transpose %squeeze3A_191, [1, 0] : vector<128x128xf32> -> vector<128x128xf32>
    %reshape3A_193 = vector.shape_cast %transpose3A_192 : vector<128x128xf32> to vector<4x4x8x128xf32>
    %swap3A_194 = arith.constant 64 : index
    %swap3A_195 = arith.constant 0 : index
    %swap3A_196 = arith.constant 0 : index
    %swap3A_197 = arith.constant 0 : index
    %swap3A_198 = arith.constant 0 : index
    %swap3A_199 = vector.load %arg2[%swap3A_194, %swap3A_195, %swap3A_196, %swap3A_197, %swap3A_198] : memref<200x4x1x8x128xf32, #tpu.memory_space<vmem>>, vector<4x4x1x8x128xf32>
    %swap3A_200 = vector.shape_cast %swap3A_199 : vector<4x4x1x8x128xf32> to vector<4x4x8x128xf32>
    %swap3A_201 = vector.shape_cast %reshape3A_193 : vector<4x4x8x128xf32> to vector<4x4x1x8x128xf32>
    tpu.vector_store %arg2[%swap3A_194, %swap3A_195, %swap3A_196, %swap3A_197, %swap3A_198], %swap3A_201 {strides = array<i32>} : memref<200x4x1x8x128xf32, #tpu.memory_space<vmem>>, vector<4x4x1x8x128xf32>,
    %slice3A_202 = vector.extract_strided_slice %reshape3A {offsets = [0, 17, 0], sizes = [128, 1, 128], strides = [1, 1, 1]} : vector<128x50x128xf32> to vector<128x1x128xf32>
    %squeeze3A_203 = vector.shape_cast %slice3A_202 : vector<128x1x128xf32> to vector<128x128xf32>
    %transpose3A_204 = tpu.transpose %squeeze3A_203, [1, 0] : vector<128x128xf32> -> vector<128x128xf32>
    %reshape3A_205 = vector.shape_cast %transpose3A_204 : vector<128x128xf32> to vector<4x4x8x128xf32>
    %swap3A_206 = arith.constant 68 : index
    %swap3A_207 = arith.constant 0 : index
    %swap3A_208 = arith.constant 0 : index
    %swap3A_209 = arith.constant 0 : index
    %swap3A_210 = arith.constant 0 : index
    %swap3A_211 = vector.load %arg2[%swap3A_206, %swap3A_207, %swap3A_208, %swap3A_209, %swap3A_210] : memref<200x4x1x8x128xf32, #tpu.memory_space<vmem>>, vector<4x4x1x8x128xf32>
    %swap3A_212 = vector.shape_cast %swap3A_211 : vector<4x4x1x8x128xf32> to vector<4x4x8x128xf32>
    %swap3A_213 = vector.shape_cast %reshape3A_205 : vector<4x4x8x128xf32> to vector<4x4x1x8x128xf32>
    tpu.vector_store %arg2[%swap3A_206, %swap3A_207, %swap3A_208, %swap3A_209, %swap3A_210], %swap3A_213 {strides = array<i32>} : memref<200x4x1x8x128xf32, #tpu.memory_space<vmem>>, vector<4x4x1x8x128xf32>,
    %slice3A_214 = vector.extract_strided_slice %reshape3A {offsets = [0, 18, 0], sizes = [128, 1, 128], strides = [1, 1, 1]} : vector<128x50x128xf32> to vector<128x1x128xf32>
    %squeeze3A_215 = vector.shape_cast %slice3A_214 : vector<128x1x128xf32> to vector<128x128xf32>
    %transpose3A_216 = tpu.transpose %squeeze3A_215, [1, 0] : vector<128x128xf32> -> vector<128x128xf32>
    %reshape3A_217 = vector.shape_cast %transpose3A_216 : vector<128x128xf32> to vector<4x4x8x128xf32>
    %swap3A_218 = arith.constant 72 : index
    %swap3A_219 = arith.constant 0 : index
    %swap3A_220 = arith.constant 0 : index
    %swap3A_221 = arith.constant 0 : index
    %swap3A_222 = arith.constant 0 : index
    %swap3A_223 = vector.load %arg2[%swap3A_218, %swap3A_219, %swap3A_220, %swap3A_221, %swap3A_222] : memref<200x4x1x8x128xf32, #tpu.memory_space<vmem>>, vector<4x4x1x8x128xf32>
    %swap3A_224 = vector.shape_cast %swap3A_223 : vector<4x4x1x8x128xf32> to vector<4x4x8x128xf32>
    %swap3A_225 = vector.shape_cast %reshape3A_217 : vector<4x4x8x128xf32> to vector<4x4x1x8x128xf32>
    tpu.vector_store %arg2[%swap3A_218, %swap3A_219, %swap3A_220, %swap3A_221, %swap3A_222], %swap3A_225 {strides = array<i32>} : memref<200x4x1x8x128xf32, #tpu.memory_space<vmem>>, vector<4x4x1x8x128xf32>,
    %slice3A_226 = vector.extract_strided_slice %reshape3A {offsets = [0, 19, 0], sizes = [128, 1, 128], strides = [1, 1, 1]} : vector<128x50x128xf32> to vector<128x1x128xf32>
    %squeeze3A_227 = vector.shape_cast %slice3A_226 : vector<128x1x128xf32> to vector<128x128xf32>
    %transpose3A_228 = tpu.transpose %squeeze3A_227, [1, 0] : vector<128x128xf32> -> vector<128x128xf32>
    %reshape3A_229 = vector.shape_cast %transpose3A_228 : vector<128x128xf32> to vector<4x4x8x128xf32>
    %swap3A_230 = arith.constant 76 : index
    %swap3A_231 = arith.constant 0 : index
    %swap3A_232 = arith.constant 0 : index
    %swap3A_233 = arith.constant 0 : index
    %swap3A_234 = arith.constant 0 : index
    %swap3A_235 = vector.load %arg2[%swap3A_230, %swap3A_231, %swap3A_232, %swap3A_233, %swap3A_234] : memref<200x4x1x8x128xf32, #tpu.memory_space<vmem>>, vector<4x4x1x8x128xf32>
    %swap3A_236 = vector.shape_cast %swap3A_235 : vector<4x4x1x8x128xf32> to vector<4x4x8x128xf32>
    %swap3A_237 = vector.shape_cast %reshape3A_229 : vector<4x4x8x128xf32> to vector<4x4x1x8x128xf32>
    tpu.vector_store %arg2[%swap3A_230, %swap3A_231, %swap3A_232, %swap3A_233, %swap3A_234], %swap3A_237 {strides = array<i32>} : memref<200x4x1x8x128xf32, #tpu.memory_space<vmem>>, vector<4x4x1x8x128xf32>,
    %slice3A_238 = vector.extract_strided_slice %reshape3A {offsets = [0, 20, 0], sizes = [128, 1, 128], strides = [1, 1, 1]} : vector<128x50x128xf32> to vector<128x1x128xf32>
    %squeeze3A_239 = vector.shape_cast %slice3A_238 : vector<128x1x128xf32> to vector<128x128xf32>
    %transpose3A_240 = tpu.transpose %squeeze3A_239, [1, 0] : vector<128x128xf32> -> vector<128x128xf32>
    %reshape3A_241 = vector.shape_cast %transpose3A_240 : vector<128x128xf32> to vector<4x4x8x128xf32>
    %swap3A_242 = arith.constant 80 : index
    %swap3A_243 = arith.constant 0 : index
    %swap3A_244 = arith.constant 0 : index
    %swap3A_245 = arith.constant 0 : index
    %swap3A_246 = arith.constant 0 : index
    %swap3A_247 = vector.load %arg2[%swap3A_242, %swap3A_243, %swap3A_244, %swap3A_245, %swap3A_246] : memref<200x4x1x8x128xf32, #tpu.memory_space<vmem>>, vector<4x4x1x8x128xf32>
    %swap3A_248 = vector.shape_cast %swap3A_247 : vector<4x4x1x8x128xf32> to vector<4x4x8x128xf32>
    %swap3A_249 = vector.shape_cast %reshape3A_241 : vector<4x4x8x128xf32> to vector<4x4x1x8x128xf32>
    tpu.vector_store %arg2[%swap3A_242, %swap3A_243, %swap3A_244, %swap3A_245, %swap3A_246], %swap3A_249 {strides = array<i32>} : memref<200x4x1x8x128xf32, #tpu.memory_space<vmem>>, vector<4x4x1x8x128xf32>,
    %slice3A_250 = vector.extract_strided_slice %reshape3A {offsets = [0, 21, 0], sizes = [128, 1, 128], strides = [1, 1, 1]} : vector<128x50x128xf32> to vector<128x1x128xf32>
    %squeeze3A_251 = vector.shape_cast %slice3A_250 : vector<128x1x128xf32> to vector<128x128xf32>
    %transpose3A_252 = tpu.transpose %squeeze3A_251, [1, 0] : vector<128x128xf32> -> vector<128x128xf32>
    %reshape3A_253 = vector.shape_cast %transpose3A_252 : vector<128x128xf32> to vector<4x4x8x128xf32>
    %swap3A_254 = arith.constant 84 : index
    %swap3A_255 = arith.constant 0 : index
    %swap3A_256 = arith.constant 0 : index
    %swap3A_257 = arith.constant 0 : index
    %swap3A_258 = arith.constant 0 : index
    %swap3A_259 = vector.load %arg2[%swap3A_254, %swap3A_255, %swap3A_256, %swap3A_257, %swap3A_258] : memref<200x4x1x8x128xf32, #tpu.memory_space<vmem>>, vector<4x4x1x8x128xf32>
    %swap3A_260 = vector.shape_cast %swap3A_259 : vector<4x4x1x8x128xf32> to vector<4x4x8x128xf32>
    %swap3A_261 = vector.shape_cast %reshape3A_253 : vector<4x4x8x128xf32> to vector<4x4x1x8x128xf32>
    tpu.vector_store %arg2[%swap3A_254, %swap3A_255, %swap3A_256, %swap3A_257, %swap3A_258], %swap3A_261 {strides = array<i32>} : memref<200x4x1x8x128xf32, #tpu.memory_space<vmem>>, vector<4x4x1x8x128xf32>,
    %slice3A_262 = vector.extract_strided_slice %reshape3A {offsets = [0, 22, 0], sizes = [128, 1, 128], strides = [1, 1, 1]} : vector<128x50x128xf32> to vector<128x1x128xf32>
    %squeeze3A_263 = vector.shape_cast %slice3A_262 : vector<128x1x128xf32> to vector<128x128xf32>
    %transpose3A_264 = tpu.transpose %squeeze3A_263, [1, 0] : vector<128x128xf32> -> vector<128x128xf32>
    %reshape3A_265 = vector.shape_cast %transpose3A_264 : vector<128x128xf32> to vector<4x4x8x128xf32>
    %swap3A_266 = arith.constant 88 : index
    %swap3A_267 = arith.constant 0 : index
    %swap3A_268 = arith.constant 0 : index
    %swap3A_269 = arith.constant 0 : index
    %swap3A_270 = arith.constant 0 : index
    %swap3A_271 = vector.load %arg2[%swap3A_266, %swap3A_267, %swap3A_268, %swap3A_269, %swap3A_270] : memref<200x4x1x8x128xf32, #tpu.memory_space<vmem>>, vector<4x4x1x8x128xf32>
    %swap3A_272 = vector.shape_cast %swap3A_271 : vector<4x4x1x8x128xf32> to vector<4x4x8x128xf32>
    %swap3A_273 = vector.shape_cast %reshape3A_265 : vector<4x4x8x128xf32> to vector<4x4x1x8x128xf32>
    tpu.vector_store %arg2[%swap3A_266, %swap3A_267, %swap3A_268, %swap3A_269, %swap3A_270], %swap3A_273 {strides = array<i32>} : memref<200x4x1x8x128xf32, #tpu.memory_space<vmem>>, vector<4x4x1x8x128xf32>,
    %slice3A_274 = vector.extract_strided_slice %reshape3A {offsets = [0, 23, 0], sizes = [128, 1, 128], strides = [1, 1, 1]} : vector<128x50x128xf32> to vector<128x1x128xf32>
    %squeeze3A_275 = vector.shape_cast %slice3A_274 : vector<128x1x128xf32> to vector<128x128xf32>
    %transpose3A_276 = tpu.transpose %squeeze3A_275, [1, 0] : vector<128x128xf32> -> vector<128x128xf32>
    %reshape3A_277 = vector.shape_cast %transpose3A_276 : vector<128x128xf32> to vector<4x4x8x128xf32>
    %swap3A_278 = arith.constant 92 : index
    %swap3A_279 = arith.constant 0 : index
    %swap3A_280 = arith.constant 0 : index
    %swap3A_281 = arith.constant 0 : index
    %swap3A_282 = arith.constant 0 : index
    %swap3A_283 = vector.load %arg2[%swap3A_278, %swap3A_279, %swap3A_280, %swap3A_281, %swap3A_282] : memref<200x4x1x8x128xf32, #tpu.memory_space<vmem>>, vector<4x4x1x8x128xf32>
    %swap3A_284 = vector.shape_cast %swap3A_283 : vector<4x4x1x8x128xf32> to vector<4x4x8x128xf32>
    %swap3A_285 = vector.shape_cast %reshape3A_277 : vector<4x4x8x128xf32> to vector<4x4x1x8x128xf32>
    tpu.vector_store %arg2[%swap3A_278, %swap3A_279, %swap3A_280, %swap3A_281, %swap3A_282], %swap3A_285 {strides = array<i32>} : memref<200x4x1x8x128xf32, #tpu.memory_space<vmem>>, vector<4x4x1x8x128xf32>,
    %slice3A_286 = vector.extract_strided_slice %reshape3A {offsets = [0, 24, 0], sizes = [128, 1, 128], strides = [1, 1, 1]} : vector<128x50x128xf32> to vector<128x1x128xf32>
    %squeeze3A_287 = vector.shape_cast %slice3A_286 : vector<128x1x128xf32> to vector<128x128xf32>
    %transpose3A_288 = tpu.transpose %squeeze3A_287, [1, 0] : vector<128x128xf32> -> vector<128x128xf32>
    %reshape3A_289 = vector.shape_cast %transpose3A_288 : vector<128x128xf32> to vector<4x4x8x128xf32>
    %swap3A_290 = arith.constant 96 : index
    %swap3A_291 = arith.constant 0 : index
    %swap3A_292 = arith.constant 0 : index
    %swap3A_293 = arith.constant 0 : index
    %swap3A_294 = arith.constant 0 : index
    %swap3A_295 = vector.load %arg2[%swap3A_290, %swap3A_291, %swap3A_292, %swap3A_293, %swap3A_294] : memref<200x4x1x8x128xf32, #tpu.memory_space<vmem>>, vector<4x4x1x8x128xf32>
    %swap3A_296 = vector.shape_cast %swap3A_295 : vector<4x4x1x8x128xf32> to vector<4x4x8x128xf32>
    %swap3A_297 = vector.shape_cast %reshape3A_289 : vector<4x4x8x128xf32> to vector<4x4x1x8x128xf32>
    tpu.vector_store %arg2[%swap3A_290, %swap3A_291, %swap3A_292, %swap3A_293, %swap3A_294], %swap3A_297 {strides = array<i32>} : memref<200x4x1x8x128xf32, #tpu.memory_space<vmem>>, vector<4x4x1x8x128xf32>,
    %slice3A_298 = vector.extract_strided_slice %reshape3A {offsets = [0, 25, 0], sizes = [128, 1, 128], strides = [1, 1, 1]} : vector<128x50x128xf32> to vector<128x1x128xf32>
    %squeeze3A_299 = vector.shape_cast %slice3A_298 : vector<128x1x128xf32> to vector<128x128xf32>
    %transpose3A_300 = tpu.transpose %squeeze3A_299, [1, 0] : vector<128x128xf32> -> vector<128x128xf32>
    %reshape3A_301 = vector.shape_cast %transpose3A_300 : vector<128x128xf32> to vector<4x4x8x128xf32>
    %swap3A_302 = arith.constant 100 : index
    %swap3A_303 = arith.constant 0 : index
    %swap3A_304 = arith.constant 0 : index
    %swap3A_305 = arith.constant 0 : index
    %swap3A_306 = arith.constant 0 : index
    %swap3A_307 = vector.load %arg2[%swap3A_302, %swap3A_303, %swap3A_304, %swap3A_305, %swap3A_306] : memref<200x4x1x8x128xf32, #tpu.memory_space<vmem>>, vector<4x4x1x8x128xf32>
    %swap3A_308 = vector.shape_cast %swap3A_307 : vector<4x4x1x8x128xf32> to vector<4x4x8x128xf32>
    %swap3A_309 = vector.shape_cast %reshape3A_301 : vector<4x4x8x128xf32> to vector<4x4x1x8x128xf32>
    tpu.vector_store %arg2[%swap3A_302, %swap3A_303, %swap3A_304, %swap3A_305, %swap3A_306], %swap3A_309 {strides = array<i32>} : memref<200x4x1x8x128xf32, #tpu.memory_space<vmem>>, vector<4x4x1x8x128xf32>,
    %slice3A_310 = vector.extract_strided_slice %reshape3A {offsets = [0, 26, 0], sizes = [128, 1, 128], strides = [1, 1, 1]} : vector<128x50x128xf32> to vector<128x1x128xf32>
    %squeeze3A_311 = vector.shape_cast %slice3A_310 : vector<128x1x128xf32> to vector<128x128xf32>
    %transpose3A_312 = tpu.transpose %squeeze3A_311, [1, 0] : vector<128x128xf32> -> vector<128x128xf32>
    %reshape3A_313 = vector.shape_cast %transpose3A_312 : vector<128x128xf32> to vector<4x4x8x128xf32>
    %swap3A_314 = arith.constant 104 : index
    %swap3A_315 = arith.constant 0 : index
    %swap3A_316 = arith.constant 0 : index
    %swap3A_317 = arith.constant 0 : index
    %swap3A_318 = arith.constant 0 : index
    %swap3A_319 = vector.load %arg2[%swap3A_314, %swap3A_315, %swap3A_316, %swap3A_317, %swap3A_318] : memref<200x4x1x8x128xf32, #tpu.memory_space<vmem>>, vector<4x4x1x8x128xf32>
    %swap3A_320 = vector.shape_cast %swap3A_319 : vector<4x4x1x8x128xf32> to vector<4x4x8x128xf32>
    %swap3A_321 = vector.shape_cast %reshape3A_313 : vector<4x4x8x128xf32> to vector<4x4x1x8x128xf32>
    tpu.vector_store %arg2[%swap3A_314, %swap3A_315, %swap3A_316, %swap3A_317, %swap3A_318], %swap3A_321 {strides = array<i32>} : memref<200x4x1x8x128xf32, #tpu.memory_space<vmem>>, vector<4x4x1x8x128xf32>,
    %slice3A_322 = vector.extract_strided_slice %reshape3A {offsets = [0, 27, 0], sizes = [128, 1, 128], strides = [1, 1, 1]} : vector<128x50x128xf32> to vector<128x1x128xf32>
    %squeeze3A_323 = vector.shape_cast %slice3A_322 : vector<128x1x128xf32> to vector<128x128xf32>
    %transpose3A_324 = tpu.transpose %squeeze3A_323, [1, 0] : vector<128x128xf32> -> vector<128x128xf32>
    %reshape3A_325 = vector.shape_cast %transpose3A_324 : vector<128x128xf32> to vector<4x4x8x128xf32>
    %swap3A_326 = arith.constant 108 : index
    %swap3A_327 = arith.constant 0 : index
    %swap3A_328 = arith.constant 0 : index
    %swap3A_329 = arith.constant 0 : index
    %swap3A_330 = arith.constant 0 : index
    %swap3A_331 = vector.load %arg2[%swap3A_326, %swap3A_327, %swap3A_328, %swap3A_329, %swap3A_330] : memref<200x4x1x8x128xf32, #tpu.memory_space<vmem>>, vector<4x4x1x8x128xf32>
    %swap3A_332 = vector.shape_cast %swap3A_331 : vector<4x4x1x8x128xf32> to vector<4x4x8x128xf32>
    %swap3A_333 = vector.shape_cast %reshape3A_325 : vector<4x4x8x128xf32> to vector<4x4x1x8x128xf32>
    tpu.vector_store %arg2[%swap3A_326, %swap3A_327, %swap3A_328, %swap3A_329, %swap3A_330], %swap3A_333 {strides = array<i32>} : memref<200x4x1x8x128xf32, #tpu.memory_space<vmem>>, vector<4x4x1x8x128xf32>,
    %slice3A_334 = vector.extract_strided_slice %reshape3A {offsets = [0, 28, 0], sizes = [128, 1, 128], strides = [1, 1, 1]} : vector<128x50x128xf32> to vector<128x1x128xf32>
    %squeeze3A_335 = vector.shape_cast %slice3A_334 : vector<128x1x128xf32> to vector<128x128xf32>
    %transpose3A_336 = tpu.transpose %squeeze3A_335, [1, 0] : vector<128x128xf32> -> vector<128x128xf32>
    %reshape3A_337 = vector.shape_cast %transpose3A_336 : vector<128x128xf32> to vector<4x4x8x128xf32>
    %swap3A_338 = arith.constant 112 : index
    %swap3A_339 = arith.constant 0 : index
    %swap3A_340 = arith.constant 0 : index
    %swap3A_341 = arith.constant 0 : index
    %swap3A_342 = arith.constant 0 : index
    %swap3A_343 = vector.load %arg2[%swap3A_338, %swap3A_339, %swap3A_340, %swap3A_341, %swap3A_342] : memref<200x4x1x8x128xf32, #tpu.memory_space<vmem>>, vector<4x4x1x8x128xf32>
    %swap3A_344 = vector.shape_cast %swap3A_343 : vector<4x4x1x8x128xf32> to vector<4x4x8x128xf32>
    %swap3A_345 = vector.shape_cast %reshape3A_337 : vector<4x4x8x128xf32> to vector<4x4x1x8x128xf32>
    tpu.vector_store %arg2[%swap3A_338, %swap3A_339, %swap3A_340, %swap3A_341, %swap3A_342], %swap3A_345 {strides = array<i32>} : memref<200x4x1x8x128xf32, #tpu.memory_space<vmem>>, vector<4x4x1x8x128xf32>,
    %slice3A_346 = vector.extract_strided_slice %reshape3A {offsets = [0, 29, 0], sizes = [128, 1, 128], strides = [1, 1, 1]} : vector<128x50x128xf32> to vector<128x1x128xf32>
    %squeeze3A_347 = vector.shape_cast %slice3A_346 : vector<128x1x128xf32> to vector<128x128xf32>
    %transpose3A_348 = tpu.transpose %squeeze3A_347, [1, 0] : vector<128x128xf32> -> vector<128x128xf32>
    %reshape3A_349 = vector.shape_cast %transpose3A_348 : vector<128x128xf32> to vector<4x4x8x128xf32>
    %swap3A_350 = arith.constant 116 : index
    %swap3A_351 = arith.constant 0 : index
    %swap3A_352 = arith.constant 0 : index
    %swap3A_353 = arith.constant 0 : index
    %swap3A_354 = arith.constant 0 : index
    %swap3A_355 = vector.load %arg2[%swap3A_350, %swap3A_351, %swap3A_352, %swap3A_353, %swap3A_354] : memref<200x4x1x8x128xf32, #tpu.memory_space<vmem>>, vector<4x4x1x8x128xf32>
    %swap3A_356 = vector.shape_cast %swap3A_355 : vector<4x4x1x8x128xf32> to vector<4x4x8x128xf32>
    %swap3A_357 = vector.shape_cast %reshape3A_349 : vector<4x4x8x128xf32> to vector<4x4x1x8x128xf32>
    tpu.vector_store %arg2[%swap3A_350, %swap3A_351, %swap3A_352, %swap3A_353, %swap3A_354], %swap3A_357 {strides = array<i32>} : memref<200x4x1x8x128xf32, #tpu.memory_space<vmem>>, vector<4x4x1x8x128xf32>,
    %slice3A_358 = vector.extract_strided_slice %reshape3A {offsets = [0, 30, 0], sizes = [128, 1, 128], strides = [1, 1, 1]} : vector<128x50x128xf32> to vector<128x1x128xf32>
    %squeeze3A_359 = vector.shape_cast %slice3A_358 : vector<128x1x128xf32> to vector<128x128xf32>
    %transpose3A_360 = tpu.transpose %squeeze3A_359, [1, 0] : vector<128x128xf32> -> vector<128x128xf32>
    %reshape3A_361 = vector.shape_cast %transpose3A_360 : vector<128x128xf32> to vector<4x4x8x128xf32>
    %swap3A_362 = arith.constant 120 : index
    %swap3A_363 = arith.constant 0 : index
    %swap3A_364 = arith.constant 0 : index
    %swap3A_365 = arith.constant 0 : index
    %swap3A_366 = arith.constant 0 : index
    %swap3A_367 = vector.load %arg2[%swap3A_362, %swap3A_363, %swap3A_364, %swap3A_365, %swap3A_366] : memref<200x4x1x8x128xf32, #tpu.memory_space<vmem>>, vector<4x4x1x8x128xf32>
    %swap3A_368 = vector.shape_cast %swap3A_367 : vector<4x4x1x8x128xf32> to vector<4x4x8x128xf32>
    %swap3A_369 = vector.shape_cast %reshape3A_361 : vector<4x4x8x128xf32> to vector<4x4x1x8x128xf32>
    tpu.vector_store %arg2[%swap3A_362, %swap3A_363, %swap3A_364, %swap3A_365, %swap3A_366], %swap3A_369 {strides = array<i32>} : memref<200x4x1x8x128xf32, #tpu.memory_space<vmem>>, vector<4x4x1x8x128xf32>,
    %slice3A_370 = vector.extract_strided_slice %reshape3A {offsets = [0, 31, 0], sizes = [128, 1, 128], strides = [1, 1, 1]} : vector<128x50x128xf32> to vector<128x1x128xf32>
    %squeeze3A_371 = vector.shape_cast %slice3A_370 : vector<128x1x128xf32> to vector<128x128xf32>
    %transpose3A_372 = tpu.transpose %squeeze3A_371, [1, 0] : vector<128x128xf32> -> vector<128x128xf32>
    %reshape3A_373 = vector.shape_cast %transpose3A_372 : vector<128x128xf32> to vector<4x4x8x128xf32>
    %swap3A_374 = arith.constant 124 : index
    %swap3A_375 = arith.constant 0 : index
    %swap3A_376 = arith.constant 0 : index
    %swap3A_377 = arith.constant 0 : index
    %swap3A_378 = arith.constant 0 : index
    %swap3A_379 = vector.load %arg2[%swap3A_374, %swap3A_375, %swap3A_376, %swap3A_377, %swap3A_378] : memref<200x4x1x8x128xf32, #tpu.memory_space<vmem>>, vector<4x4x1x8x128xf32>
    %swap3A_380 = vector.shape_cast %swap3A_379 : vector<4x4x1x8x128xf32> to vector<4x4x8x128xf32>
    %swap3A_381 = vector.shape_cast %reshape3A_373 : vector<4x4x8x128xf32> to vector<4x4x1x8x128xf32>
    tpu.vector_store %arg2[%swap3A_374, %swap3A_375, %swap3A_376, %swap3A_377, %swap3A_378], %swap3A_381 {strides = array<i32>} : memref<200x4x1x8x128xf32, #tpu.memory_space<vmem>>, vector<4x4x1x8x128xf32>,
    %slice3A_382 = vector.extract_strided_slice %reshape3A {offsets = [0, 32, 0], sizes = [128, 1, 128], strides = [1, 1, 1]} : vector<128x50x128xf32> to vector<128x1x128xf32>
    %squeeze3A_383 = vector.shape_cast %slice3A_382 : vector<128x1x128xf32> to vector<128x128xf32>
    %transpose3A_384 = tpu.transpose %squeeze3A_383, [1, 0] : vector<128x128xf32> -> vector<128x128xf32>
    %reshape3A_385 = vector.shape_cast %transpose3A_384 : vector<128x128xf32> to vector<4x4x8x128xf32>
    %swap3A_386 = arith.constant 128 : index
    %swap3A_387 = arith.constant 0 : index
    %swap3A_388 = arith.constant 0 : index
    %swap3A_389 = arith.constant 0 : index
    %swap3A_390 = arith.constant 0 : index
    %swap3A_391 = vector.load %arg2[%swap3A_386, %swap3A_387, %swap3A_388, %swap3A_389, %swap3A_390] : memref<200x4x1x8x128xf32, #tpu.memory_space<vmem>>, vector<4x4x1x8x128xf32>
    %swap3A_392 = vector.shape_cast %swap3A_391 : vector<4x4x1x8x128xf32> to vector<4x4x8x128xf32>
    %swap3A_393 = vector.shape_cast %reshape3A_385 : vector<4x4x8x128xf32> to vector<4x4x1x8x128xf32>
    tpu.vector_store %arg2[%swap3A_386, %swap3A_387, %swap3A_388, %swap3A_389, %swap3A_390], %swap3A_393 {strides = array<i32>} : memref<200x4x1x8x128xf32, #tpu.memory_space<vmem>>, vector<4x4x1x8x128xf32>,
    %slice3A_394 = vector.extract_strided_slice %reshape3A {offsets = [0, 33, 0], sizes = [128, 1, 128], strides = [1, 1, 1]} : vector<128x50x128xf32> to vector<128x1x128xf32>
    %squeeze3A_395 = vector.shape_cast %slice3A_394 : vector<128x1x128xf32> to vector<128x128xf32>
    %transpose3A_396 = tpu.transpose %squeeze3A_395, [1, 0] : vector<128x128xf32> -> vector<128x128xf32>
    %reshape3A_397 = vector.shape_cast %transpose3A_396 : vector<128x128xf32> to vector<4x4x8x128xf32>
    %swap3A_398 = arith.constant 132 : index
    %swap3A_399 = arith.constant 0 : index
    %swap3A_400 = arith.constant 0 : index
    %swap3A_401 = arith.constant 0 : index
    %swap3A_402 = arith.constant 0 : index
    %swap3A_403 = vector.load %arg2[%swap3A_398, %swap3A_399, %swap3A_400, %swap3A_401, %swap3A_402] : memref<200x4x1x8x128xf32, #tpu.memory_space<vmem>>, vector<4x4x1x8x128xf32>
    %swap3A_404 = vector.shape_cast %swap3A_403 : vector<4x4x1x8x128xf32> to vector<4x4x8x128xf32>
    %swap3A_405 = vector.shape_cast %reshape3A_397 : vector<4x4x8x128xf32> to vector<4x4x1x8x128xf32>
    tpu.vector_store %arg2[%swap3A_398, %swap3A_399, %swap3A_400, %swap3A_401, %swap3A_402], %swap3A_405 {strides = array<i32>} : memref<200x4x1x8x128xf32, #tpu.memory_space<vmem>>, vector<4x4x1x8x128xf32>,
    %slice3A_406 = vector.extract_strided_slice %reshape3A {offsets = [0, 34, 0], sizes = [128, 1, 128], strides = [1, 1, 1]} : vector<128x50x128xf32> to vector<128x1x128xf32>
    %squeeze3A_407 = vector.shape_cast %slice3A_406 : vector<128x1x128xf32> to vector<128x128xf32>
    %transpose3A_408 = tpu.transpose %squeeze3A_407, [1, 0] : vector<128x128xf32> -> vector<128x128xf32>
    %reshape3A_409 = vector.shape_cast %transpose3A_408 : vector<128x128xf32> to vector<4x4x8x128xf32>
    %swap3A_410 = arith.constant 136 : index
    %swap3A_411 = arith.constant 0 : index
    %swap3A_412 = arith.constant 0 : index
    %swap3A_413 = arith.constant 0 : index
    %swap3A_414 = arith.constant 0 : index
    %swap3A_415 = vector.load %arg2[%swap3A_410, %swap3A_411, %swap3A_412, %swap3A_413, %swap3A_414] : memref<200x4x1x8x128xf32, #tpu.memory_space<vmem>>, vector<4x4x1x8x128xf32>
    %swap3A_416 = vector.shape_cast %swap3A_415 : vector<4x4x1x8x128xf32> to vector<4x4x8x128xf32>
    %swap3A_417 = vector.shape_cast %reshape3A_409 : vector<4x4x8x128xf32> to vector<4x4x1x8x128xf32>
    tpu.vector_store %arg2[%swap3A_410, %swap3A_411, %swap3A_412, %swap3A_413, %swap3A_414], %swap3A_417 {strides = array<i32>} : memref<200x4x1x8x128xf32, #tpu.memory_space<vmem>>, vector<4x4x1x8x128xf32>,
    %slice3A_418 = vector.extract_strided_slice %reshape3A {offsets = [0, 35, 0], sizes = [128, 1, 128], strides = [1, 1, 1]} : vector<128x50x128xf32> to vector<128x1x128xf32>
    %squeeze3A_419 = vector.shape_cast %slice3A_418 : vector<128x1x128xf32> to vector<128x128xf32>
    %transpose3A_420 = tpu.transpose %squeeze3A_419, [1, 0] : vector<128x128xf32> -> vector<128x128xf32>
    %reshape3A_421 = vector.shape_cast %transpose3A_420 : vector<128x128xf32> to vector<4x4x8x128xf32>
    %swap3A_422 = arith.constant 140 : index
    %swap3A_423 = arith.constant 0 : index
    %swap3A_424 = arith.constant 0 : index
    %swap3A_425 = arith.constant 0 : index
    %swap3A_426 = arith.constant 0 : index
    %swap3A_427 = vector.load %arg2[%swap3A_422, %swap3A_423, %swap3A_424, %swap3A_425, %swap3A_426] : memref<200x4x1x8x128xf32, #tpu.memory_space<vmem>>, vector<4x4x1x8x128xf32>
    %swap3A_428 = vector.shape_cast %swap3A_427 : vector<4x4x1x8x128xf32> to vector<4x4x8x128xf32>
    %swap3A_429 = vector.shape_cast %reshape3A_421 : vector<4x4x8x128xf32> to vector<4x4x1x8x128xf32>
    tpu.vector_store %arg2[%swap3A_422, %swap3A_423, %swap3A_424, %swap3A_425, %swap3A_426], %swap3A_429 {strides = array<i32>} : memref<200x4x1x8x128xf32, #tpu.memory_space<vmem>>, vector<4x4x1x8x128xf32>,
    %slice3A_430 = vector.extract_strided_slice %reshape3A {offsets = [0, 36, 0], sizes = [128, 1, 128], strides = [1, 1, 1]} : vector<128x50x128xf32> to vector<128x1x128xf32>
    %squeeze3A_431 = vector.shape_cast %slice3A_430 : vector<128x1x128xf32> to vector<128x128xf32>
    %transpose3A_432 = tpu.transpose %squeeze3A_431, [1, 0] : vector<128x128xf32> -> vector<128x128xf32>
    %reshape3A_433 = vector.shape_cast %transpose3A_432 : vector<128x128xf32> to vector<4x4x8x128xf32>
    %swap3A_434 = arith.constant 144 : index
    %swap3A_435 = arith.constant 0 : index
    %swap3A_436 = arith.constant 0 : index
    %swap3A_437 = arith.constant 0 : index
    %swap3A_438 = arith.constant 0 : index
    %swap3A_439 = vector.load %arg2[%swap3A_434, %swap3A_435, %swap3A_436, %swap3A_437, %swap3A_438] : memref<200x4x1x8x128xf32, #tpu.memory_space<vmem>>, vector<4x4x1x8x128xf32>
    %swap3A_440 = vector.shape_cast %swap3A_439 : vector<4x4x1x8x128xf32> to vector<4x4x8x128xf32>
    %swap3A_441 = vector.shape_cast %reshape3A_433 : vector<4x4x8x128xf32> to vector<4x4x1x8x128xf32>
    tpu.vector_store %arg2[%swap3A_434, %swap3A_435, %swap3A_436, %swap3A_437, %swap3A_438], %swap3A_441 {strides = array<i32>} : memref<200x4x1x8x128xf32, #tpu.memory_space<vmem>>, vector<4x4x1x8x128xf32>,
    %slice3A_442 = vector.extract_strided_slice %reshape3A {offsets = [0, 37, 0], sizes = [128, 1, 128], strides = [1, 1, 1]} : vector<128x50x128xf32> to vector<128x1x128xf32>
    %squeeze3A_443 = vector.shape_cast %slice3A_442 : vector<128x1x128xf32> to vector<128x128xf32>
    %transpose3A_444 = tpu.transpose %squeeze3A_443, [1, 0] : vector<128x128xf32> -> vector<128x128xf32>
    %reshape3A_445 = vector.shape_cast %transpose3A_444 : vector<128x128xf32> to vector<4x4x8x128xf32>
    %swap3A_446 = arith.constant 148 : index
    %swap3A_447 = arith.constant 0 : index
    %swap3A_448 = arith.constant 0 : index
    %swap3A_449 = arith.constant 0 : index
    %swap3A_450 = arith.constant 0 : index
    %swap3A_451 = vector.load %arg2[%swap3A_446, %swap3A_447, %swap3A_448, %swap3A_449, %swap3A_450] : memref<200x4x1x8x128xf32, #tpu.memory_space<vmem>>, vector<4x4x1x8x128xf32>
    %swap3A_452 = vector.shape_cast %swap3A_451 : vector<4x4x1x8x128xf32> to vector<4x4x8x128xf32>
    %swap3A_453 = vector.shape_cast %reshape3A_445 : vector<4x4x8x128xf32> to vector<4x4x1x8x128xf32>
    tpu.vector_store %arg2[%swap3A_446, %swap3A_447, %swap3A_448, %swap3A_449, %swap3A_450], %swap3A_453 {strides = array<i32>} : memref<200x4x1x8x128xf32, #tpu.memory_space<vmem>>, vector<4x4x1x8x128xf32>,
    %slice3A_454 = vector.extract_strided_slice %reshape3A {offsets = [0, 38, 0], sizes = [128, 1, 128], strides = [1, 1, 1]} : vector<128x50x128xf32> to vector<128x1x128xf32>
    %squeeze3A_455 = vector.shape_cast %slice3A_454 : vector<128x1x128xf32> to vector<128x128xf32>
    %transpose3A_456 = tpu.transpose %squeeze3A_455, [1, 0] : vector<128x128xf32> -> vector<128x128xf32>
    %reshape3A_457 = vector.shape_cast %transpose3A_456 : vector<128x128xf32> to vector<4x4x8x128xf32>
    %swap3A_458 = arith.constant 152 : index
    %swap3A_459 = arith.constant 0 : index
    %swap3A_460 = arith.constant 0 : index
    %swap3A_461 = arith.constant 0 : index
    %swap3A_462 = arith.constant 0 : index
    %swap3A_463 = vector.load %arg2[%swap3A_458, %swap3A_459, %swap3A_460, %swap3A_461, %swap3A_462] : memref<200x4x1x8x128xf32, #tpu.memory_space<vmem>>, vector<4x4x1x8x128xf32>
    %swap3A_464 = vector.shape_cast %swap3A_463 : vector<4x4x1x8x128xf32> to vector<4x4x8x128xf32>
    %swap3A_465 = vector.shape_cast %reshape3A_457 : vector<4x4x8x128xf32> to vector<4x4x1x8x128xf32>
    tpu.vector_store %arg2[%swap3A_458, %swap3A_459, %swap3A_460, %swap3A_461, %swap3A_462], %swap3A_465 {strides = array<i32>} : memref<200x4x1x8x128xf32, #tpu.memory_space<vmem>>, vector<4x4x1x8x128xf32>,
    %slice3A_466 = vector.extract_strided_slice %reshape3A {offsets = [0, 39, 0], sizes = [128, 1, 128], strides = [1, 1, 1]} : vector<128x50x128xf32> to vector<128x1x128xf32>
    %squeeze3A_467 = vector.shape_cast %slice3A_466 : vector<128x1x128xf32> to vector<128x128xf32>
    %transpose3A_468 = tpu.transpose %squeeze3A_467, [1, 0] : vector<128x128xf32> -> vector<128x128xf32>
    %reshape3A_469 = vector.shape_cast %transpose3A_468 : vector<128x128xf32> to vector<4x4x8x128xf32>
    %swap3A_470 = arith.constant 156 : index
    %swap3A_471 = arith.constant 0 : index
    %swap3A_472 = arith.constant 0 : index
    %swap3A_473 = arith.constant 0 : index
    %swap3A_474 = arith.constant 0 : index
    %swap3A_475 = vector.load %arg2[%swap3A_470, %swap3A_471, %swap3A_472, %swap3A_473, %swap3A_474] : memref<200x4x1x8x128xf32, #tpu.memory_space<vmem>>, vector<4x4x1x8x128xf32>
    %swap3A_476 = vector.shape_cast %swap3A_475 : vector<4x4x1x8x128xf32> to vector<4x4x8x128xf32>
    %swap3A_477 = vector.shape_cast %reshape3A_469 : vector<4x4x8x128xf32> to vector<4x4x1x8x128xf32>
    tpu.vector_store %arg2[%swap3A_470, %swap3A_471, %swap3A_472, %swap3A_473, %swap3A_474], %swap3A_477 {strides = array<i32>} : memref<200x4x1x8x128xf32, #tpu.memory_space<vmem>>, vector<4x4x1x8x128xf32>,
    %slice3A_478 = vector.extract_strided_slice %reshape3A {offsets = [0, 40, 0], sizes = [128, 1, 128], strides = [1, 1, 1]} : vector<128x50x128xf32> to vector<128x1x128xf32>
    %squeeze3A_479 = vector.shape_cast %slice3A_478 : vector<128x1x128xf32> to vector<128x128xf32>
    %transpose3A_480 = tpu.transpose %squeeze3A_479, [1, 0] : vector<128x128xf32> -> vector<128x128xf32>
    %reshape3A_481 = vector.shape_cast %transpose3A_480 : vector<128x128xf32> to vector<4x4x8x128xf32>
    %swap3A_482 = arith.constant 160 : index
    %swap3A_483 = arith.constant 0 : index
    %swap3A_484 = arith.constant 0 : index
    %swap3A_485 = arith.constant 0 : index
    %swap3A_486 = arith.constant 0 : index
    %swap3A_487 = vector.load %arg2[%swap3A_482, %swap3A_483, %swap3A_484, %swap3A_485, %swap3A_486] : memref<200x4x1x8x128xf32, #tpu.memory_space<vmem>>, vector<4x4x1x8x128xf32>
    %swap3A_488 = vector.shape_cast %swap3A_487 : vector<4x4x1x8x128xf32> to vector<4x4x8x128xf32>
    %swap3A_489 = vector.shape_cast %reshape3A_481 : vector<4x4x8x128xf32> to vector<4x4x1x8x128xf32>
    tpu.vector_store %arg2[%swap3A_482, %swap3A_483, %swap3A_484, %swap3A_485, %swap3A_486], %swap3A_489 {strides = array<i32>} : memref<200x4x1x8x128xf32, #tpu.memory_space<vmem>>, vector<4x4x1x8x128xf32>,
    %slice3A_490 = vector.extract_strided_slice %reshape3A {offsets = [0, 41, 0], sizes = [128, 1, 128], strides = [1, 1, 1]} : vector<128x50x128xf32> to vector<128x1x128xf32>
    %squeeze3A_491 = vector.shape_cast %slice3A_490 : vector<128x1x128xf32> to vector<128x128xf32>
    %transpose3A_492 = tpu.transpose %squeeze3A_491, [1, 0] : vector<128x128xf32> -> vector<128x128xf32>
    %reshape3A_493 = vector.shape_cast %transpose3A_492 : vector<128x128xf32> to vector<4x4x8x128xf32>
    %swap3A_494 = arith.constant 164 : index
    %swap3A_495 = arith.constant 0 : index
    %swap3A_496 = arith.constant 0 : index
    %swap3A_497 = arith.constant 0 : index
    %swap3A_498 = arith.constant 0 : index
    %swap3A_499 = vector.load %arg2[%swap3A_494, %swap3A_495, %swap3A_496, %swap3A_497, %swap3A_498] : memref<200x4x1x8x128xf32, #tpu.memory_space<vmem>>, vector<4x4x1x8x128xf32>
    %swap3A_500 = vector.shape_cast %swap3A_499 : vector<4x4x1x8x128xf32> to vector<4x4x8x128xf32>
    %swap3A_501 = vector.shape_cast %reshape3A_493 : vector<4x4x8x128xf32> to vector<4x4x1x8x128xf32>
    tpu.vector_store %arg2[%swap3A_494, %swap3A_495, %swap3A_496, %swap3A_497, %swap3A_498], %swap3A_501 {strides = array<i32>} : memref<200x4x1x8x128xf32, #tpu.memory_space<vmem>>, vector<4x4x1x8x128xf32>,
    %slice3A_502 = vector.extract_strided_slice %reshape3A {offsets = [0, 42, 0], sizes = [128, 1, 128], strides = [1, 1, 1]} : vector<128x50x128xf32> to vector<128x1x128xf32>
    %squeeze3A_503 = vector.shape_cast %slice3A_502 : vector<128x1x128xf32> to vector<128x128xf32>
    %transpose3A_504 = tpu.transpose %squeeze3A_503, [1, 0] : vector<128x128xf32> -> vector<128x128xf32>
    %reshape3A_505 = vector.shape_cast %transpose3A_504 : vector<128x128xf32> to vector<4x4x8x128xf32>
    %swap3A_506 = arith.constant 168 : index
    %swap3A_507 = arith.constant 0 : index
    %swap3A_508 = arith.constant 0 : index
    %swap3A_509 = arith.constant 0 : index
    %swap3A_510 = arith.constant 0 : index
    %swap3A_511 = vector.load %arg2[%swap3A_506, %swap3A_507, %swap3A_508, %swap3A_509, %swap3A_510] : memref<200x4x1x8x128xf32, #tpu.memory_space<vmem>>, vector<4x4x1x8x128xf32>
    %swap3A_512 = vector.shape_cast %swap3A_511 : vector<4x4x1x8x128xf32> to vector<4x4x8x128xf32>
    %swap3A_513 = vector.shape_cast %reshape3A_505 : vector<4x4x8x128xf32> to vector<4x4x1x8x128xf32>
    tpu.vector_store %arg2[%swap3A_506, %swap3A_507, %swap3A_508, %swap3A_509, %swap3A_510], %swap3A_513 {strides = array<i32>} : memref<200x4x1x8x128xf32, #tpu.memory_space<vmem>>, vector<4x4x1x8x128xf32>,
    %slice3A_514 = vector.extract_strided_slice %reshape3A {offsets = [0, 43, 0], sizes = [128, 1, 128], strides = [1, 1, 1]} : vector<128x50x128xf32> to vector<128x1x128xf32>
    %squeeze3A_515 = vector.shape_cast %slice3A_514 : vector<128x1x128xf32> to vector<128x128xf32>
    %transpose3A_516 = tpu.transpose %squeeze3A_515, [1, 0] : vector<128x128xf32> -> vector<128x128xf32>
    %reshape3A_517 = vector.shape_cast %transpose3A_516 : vector<128x128xf32> to vector<4x4x8x128xf32>
    %swap3A_518 = arith.constant 172 : index
    %swap3A_519 = arith.constant 0 : index
    %swap3A_520 = arith.constant 0 : index
    %swap3A_521 = arith.constant 0 : index
    %swap3A_522 = arith.constant 0 : index
    %swap3A_523 = vector.load %arg2[%swap3A_518, %swap3A_519, %swap3A_520, %swap3A_521, %swap3A_522] : memref<200x4x1x8x128xf32, #tpu.memory_space<vmem>>, vector<4x4x1x8x128xf32>
    %swap3A_524 = vector.shape_cast %swap3A_523 : vector<4x4x1x8x128xf32> to vector<4x4x8x128xf32>
    %swap3A_525 = vector.shape_cast %reshape3A_517 : vector<4x4x8x128xf32> to vector<4x4x1x8x128xf32>
    tpu.vector_store %arg2[%swap3A_518, %swap3A_519, %swap3A_520, %swap3A_521, %swap3A_522], %swap3A_525 {strides = array<i32>} : memref<200x4x1x8x128xf32, #tpu.memory_space<vmem>>, vector<4x4x1x8x128xf32>,
    %slice3A_526 = vector.extract_strided_slice %reshape3A {offsets = [0, 44, 0], sizes = [128, 1, 128], strides = [1, 1, 1]} : vector<128x50x128xf32> to vector<128x1x128xf32>
    %squeeze3A_527 = vector.shape_cast %slice3A_526 : vector<128x1x128xf32> to vector<128x128xf32>
    %transpose3A_528 = tpu.transpose %squeeze3A_527, [1, 0] : vector<128x128xf32> -> vector<128x128xf32>
    %reshape3A_529 = vector.shape_cast %transpose3A_528 : vector<128x128xf32> to vector<4x4x8x128xf32>
    %swap3A_530 = arith.constant 176 : index
    %swap3A_531 = arith.constant 0 : index
    %swap3A_532 = arith.constant 0 : index
    %swap3A_533 = arith.constant 0 : index
    %swap3A_534 = arith.constant 0 : index
    %swap3A_535 = vector.load %arg2[%swap3A_530, %swap3A_531, %swap3A_532, %swap3A_533, %swap3A_534] : memref<200x4x1x8x128xf32, #tpu.memory_space<vmem>>, vector<4x4x1x8x128xf32>
    %swap3A_536 = vector.shape_cast %swap3A_535 : vector<4x4x1x8x128xf32> to vector<4x4x8x128xf32>
    %swap3A_537 = vector.shape_cast %reshape3A_529 : vector<4x4x8x128xf32> to vector<4x4x1x8x128xf32>
    tpu.vector_store %arg2[%swap3A_530, %swap3A_531, %swap3A_532, %swap3A_533, %swap3A_534], %swap3A_537 {strides = array<i32>} : memref<200x4x1x8x128xf32, #tpu.memory_space<vmem>>, vector<4x4x1x8x128xf32>,
    %slice3A_538 = vector.extract_strided_slice %reshape3A {offsets = [0, 45, 0], sizes = [128, 1, 128], strides = [1, 1, 1]} : vector<128x50x128xf32> to vector<128x1x128xf32>
    %squeeze3A_539 = vector.shape_cast %slice3A_538 : vector<128x1x128xf32> to vector<128x128xf32>
    %transpose3A_540 = tpu.transpose %squeeze3A_539, [1, 0] : vector<128x128xf32> -> vector<128x128xf32>
    %reshape3A_541 = vector.shape_cast %transpose3A_540 : vector<128x128xf32> to vector<4x4x8x128xf32>
    %swap3A_542 = arith.constant 180 : index
    %swap3A_543 = arith.constant 0 : index
    %swap3A_544 = arith.constant 0 : index
    %swap3A_545 = arith.constant 0 : index
    %swap3A_546 = arith.constant 0 : index
    %swap3A_547 = vector.load %arg2[%swap3A_542, %swap3A_543, %swap3A_544, %swap3A_545, %swap3A_546] : memref<200x4x1x8x128xf32, #tpu.memory_space<vmem>>, vector<4x4x1x8x128xf32>
    %swap3A_548 = vector.shape_cast %swap3A_547 : vector<4x4x1x8x128xf32> to vector<4x4x8x128xf32>
    %swap3A_549 = vector.shape_cast %reshape3A_541 : vector<4x4x8x128xf32> to vector<4x4x1x8x128xf32>
    tpu.vector_store %arg2[%swap3A_542, %swap3A_543, %swap3A_544, %swap3A_545, %swap3A_546], %swap3A_549 {strides = array<i32>} : memref<200x4x1x8x128xf32, #tpu.memory_space<vmem>>, vector<4x4x1x8x128xf32>,
    %slice3A_550 = vector.extract_strided_slice %reshape3A {offsets = [0, 46, 0], sizes = [128, 1, 128], strides = [1, 1, 1]} : vector<128x50x128xf32> to vector<128x1x128xf32>
    %squeeze3A_551 = vector.shape_cast %slice3A_550 : vector<128x1x128xf32> to vector<128x128xf32>
    %transpose3A_552 = tpu.transpose %squeeze3A_551, [1, 0] : vector<128x128xf32> -> vector<128x128xf32>
    %reshape3A_553 = vector.shape_cast %transpose3A_552 : vector<128x128xf32> to vector<4x4x8x128xf32>
    %swap3A_554 = arith.constant 184 : index
    %swap3A_555 = arith.constant 0 : index
    %swap3A_556 = arith.constant 0 : index
    %swap3A_557 = arith.constant 0 : index
    %swap3A_558 = arith.constant 0 : index
    %swap3A_559 = vector.load %arg2[%swap3A_554, %swap3A_555, %swap3A_556, %swap3A_557, %swap3A_558] : memref<200x4x1x8x128xf32, #tpu.memory_space<vmem>>, vector<4x4x1x8x128xf32>
    %swap3A_560 = vector.shape_cast %swap3A_559 : vector<4x4x1x8x128xf32> to vector<4x4x8x128xf32>
    %swap3A_561 = vector.shape_cast %reshape3A_553 : vector<4x4x8x128xf32> to vector<4x4x1x8x128xf32>
    tpu.vector_store %arg2[%swap3A_554, %swap3A_555, %swap3A_556, %swap3A_557, %swap3A_558], %swap3A_561 {strides = array<i32>} : memref<200x4x1x8x128xf32, #tpu.memory_space<vmem>>, vector<4x4x1x8x128xf32>,
    %slice3A_562 = vector.extract_strided_slice %reshape3A {offsets = [0, 47, 0], sizes = [128, 1, 128], strides = [1, 1, 1]} : vector<128x50x128xf32> to vector<128x1x128xf32>
    %squeeze3A_563 = vector.shape_cast %slice3A_562 : vector<128x1x128xf32> to vector<128x128xf32>
    %transpose3A_564 = tpu.transpose %squeeze3A_563, [1, 0] : vector<128x128xf32> -> vector<128x128xf32>
    %reshape3A_565 = vector.shape_cast %transpose3A_564 : vector<128x128xf32> to vector<4x4x8x128xf32>
    %swap3A_566 = arith.constant 188 : index
    %swap3A_567 = arith.constant 0 : index
    %swap3A_568 = arith.constant 0 : index
    %swap3A_569 = arith.constant 0 : index
    %swap3A_570 = arith.constant 0 : index
    %swap3A_571 = vector.load %arg2[%swap3A_566, %swap3A_567, %swap3A_568, %swap3A_569, %swap3A_570] : memref<200x4x1x8x128xf32, #tpu.memory_space<vmem>>, vector<4x4x1x8x128xf32>
    %swap3A_572 = vector.shape_cast %swap3A_571 : vector<4x4x1x8x128xf32> to vector<4x4x8x128xf32>
    %swap3A_573 = vector.shape_cast %reshape3A_565 : vector<4x4x8x128xf32> to vector<4x4x1x8x128xf32>
    tpu.vector_store %arg2[%swap3A_566, %swap3A_567, %swap3A_568, %swap3A_569, %swap3A_570], %swap3A_573 {strides = array<i32>} : memref<200x4x1x8x128xf32, #tpu.memory_space<vmem>>, vector<4x4x1x8x128xf32>,
    %slice3A_574 = vector.extract_strided_slice %reshape3A {offsets = [0, 48, 0], sizes = [128, 1, 128], strides = [1, 1, 1]} : vector<128x50x128xf32> to vector<128x1x128xf32>
    %squeeze3A_575 = vector.shape_cast %slice3A_574 : vector<128x1x128xf32> to vector<128x128xf32>
    %transpose3A_576 = tpu.transpose %squeeze3A_575, [1, 0] : vector<128x128xf32> -> vector<128x128xf32>
    %reshape3A_577 = vector.shape_cast %transpose3A_576 : vector<128x128xf32> to vector<4x4x8x128xf32>
    %swap3A_578 = arith.constant 192 : index
    %swap3A_579 = arith.constant 0 : index
    %swap3A_580 = arith.constant 0 : index
    %swap3A_581 = arith.constant 0 : index
    %swap3A_582 = arith.constant 0 : index
    %swap3A_583 = vector.load %arg2[%swap3A_578, %swap3A_579, %swap3A_580, %swap3A_581, %swap3A_582] : memref<200x4x1x8x128xf32, #tpu.memory_space<vmem>>, vector<4x4x1x8x128xf32>
    %swap3A_584 = vector.shape_cast %swap3A_583 : vector<4x4x1x8x128xf32> to vector<4x4x8x128xf32>
    %swap3A_585 = vector.shape_cast %reshape3A_577 : vector<4x4x8x128xf32> to vector<4x4x1x8x128xf32>
    tpu.vector_store %arg2[%swap3A_578, %swap3A_579, %swap3A_580, %swap3A_581, %swap3A_582], %swap3A_585 {strides = array<i32>} : memref<200x4x1x8x128xf32, #tpu.memory_space<vmem>>, vector<4x4x1x8x128xf32>,
    %slice3A_586 = vector.extract_strided_slice %reshape3A {offsets = [0, 49, 0], sizes = [128, 1, 128], strides = [1, 1, 1]} : vector<128x50x128xf32> to vector<128x1x128xf32>
    %squeeze3A_587 = vector.shape_cast %slice3A_586 : vector<128x1x128xf32> to vector<128x128xf32>
    %transpose3A_588 = tpu.transpose %squeeze3A_587, [1, 0] : vector<128x128xf32> -> vector<128x128xf32>
    %reshape3A_589 = vector.shape_cast %transpose3A_588 : vector<128x128xf32> to vector<4x4x8x128xf32>
    %swap3A_590 = arith.constant 196 : index
    %swap3A_591 = arith.constant 0 : index
    %swap3A_592 = arith.constant 0 : index
    %swap3A_593 = arith.constant 0 : index
    %swap3A_594 = arith.constant 0 : index
    %swap3A_595 = vector.load %arg2[%swap3A_590, %swap3A_591, %swap3A_592, %swap3A_593, %swap3A_594] : memref<200x4x1x8x128xf32, #tpu.memory_space<vmem>>, vector<4x4x1x8x128xf32>
    %swap3A_596 = vector.shape_cast %swap3A_595 : vector<4x4x1x8x128xf32> to vector<4x4x8x128xf32>
    %swap3A_597 = vector.shape_cast %reshape3A_589 : vector<4x4x8x128xf32> to vector<4x4x1x8x128xf32>
    tpu.vector_store %arg2[%swap3A_590, %swap3A_591, %swap3A_592, %swap3A_593, %swap3A_594], %swap3A_597 {strides = array<i32>} : memref<200x4x1x8x128xf32, #tpu.memory_space<vmem>>, vector<4x4x1x8x128xf32>,
    return
  }
  func.func @transform_0(%arg0: i32) -> (i32, i32) {
    %c0_i32 = arith.constant 0 : i32
    %c0_i32_0 = arith.constant 0 : i32
    return %arg0, %c0_i32 : i32, i32
  }
  func.func @transform_1(%arg0: i32) -> (i32, i32, i32, i32, i32) {
    %c0_i32 = arith.constant 0 : i32
    %c0_i32_0 = arith.constant 0 : i32
    %c0_i32_1 = arith.constant 0 : i32
    %c0_i32_2 = arith.constant 0 : i32
    %c0_i32_3 = arith.constant 0 : i32
    return %c0_i32, %c0_i32_0, %arg0, %c0_i32_1, %c0_i32_2 : i32, i32, i32, i32, i32
  }
}

</mosaic_0001>

<sc_bundles>
// kernel: kernel.5.cloned.1.call-start
scs
__scs_entry_jumppad:
0x0: {  	(pc) =	sbr.rel $0x88, $3  }
0x1: {  	(tag) =	ssettag $0x0;
	lr =	simm.s32 $0x1  }
0x2: {  	[smem:$0x3F9F] =	sst lr;
	_ =	strace $0xD0000000  }
0x3: {  	_ = 	snop  }
0x4: {  	_ = 	snop  }
0x5: {  	_ = 	snop  }
0x6: {  	_ = 	snop  }
0x7: {  	_ = 	snop  }
__scs_overlays_trampoline_lowered:
0x8: {  	[smem:$0x3FAE] =	sst s0  }
0x9: {  	[smem:$0x3FAF] =	sst s1  }
0xa: {  	[smem:$0x3FB0] =	sst s2  }
0xb: {  	[smem:$0x3FB1] =	sst s3  }
0xc: {  	[smem:$0x3FB2] =	sst s4  }
0xd: {  	[smem:$0x3FB3] =	sst s5  }
0xe: {  	[smem:$0x3FB4] =	sst s6  }
0xf: {  	[smem:$0x3FB5] =	sst s7  }
0x10: {  	[smem:$0x3FB6] =	sst s8  }
0x11: {  	[smem:$0x3FB7] =	sst s9;
	s0 =	simm.s32 @!p0 $0x0  }
0x12: {  	s1 =	sld [smem:$0x3F9D];
	s0 =	simm.s32 @p0 $0x1  }
0x13: {  	[smem:$0x3FB8] =	sst s0;
	s0 =	simm.s32 @!p1 $0x0  }
0x14: {  	s2 =	sld [smem:$0x3F9C];
	s0 =	simm.s32 @p1 $0x1  }
0x15: {  	[smem:$0x3FB9] =	sst s0;
	s0 =	simm.s32 @!p2 $0x0  }
0x16: {  	s3 =	sld [smem:$0x3FDB];
	s0 =	simm.s32 @p2 $0x1  }
0x17: {  	s4 =	simm.s32 $0x1BF5;
	[smem:$0x3FBB] =	sst s0  }
0x18: {  	s0 =	sld [smem:$0x3F9E];
	_ =	swait.ge [sflag:s4], $0x0  }
0x19: {  	s7 =	sld [smem:$0x3F9F]  }
0x1a: {  	s8 =	sadd.s32 $0xFFFFE003, lr  }
0x1b: {  	s9 =	sadd.s32 $0xFFFFFEF7, lr;
	s5 =	simm.s32 $0xFFFFFFFF;
	p2 =	slt.u32 s8, $0xFFFFF086  }
0x1c: {  	p1 =	slt.u32 s9, $0xF7A;
	s5 =	simm.s32 @!p2 $0x0  }
0x1d: {  	s5 =	simm.s32 @p1 $0x1;
	p0 =	seq.s32 s7, s2  }
0x1e: {  	s7 =	smul.u32 @!p0 $0xF7A, s2;
	p2 =	seq.s32 @!p0 s5, $0x0  }
0x1f: {  	s9 =	smul.u32 $0xF7A, s1;
	s8 =	simm.s32 @!p0 $0x1BF5;
	p2 =	por !p2, p0  }
0x20: {  	[sflag:s8] =	ssyncset.s32 @!p0 $0xFFFFF086;
	s6 =	sadd.s32 @!p0 s3, s7;
	s7 =	simm.s32 @!p0 $0x108  }
0x21: {  	s3 =	sadd.s32 s3, s9;
	s6 =	sadd.s32 @!p0 $0x88, s6;
	s7 =	simm.s32 @p2 $0x1082  }
0x22: {  	[simem:s7], [sflag:s8] =	dma.local @!p0 [hbm:s6], $0xF7A  }
0x23: {  	s9 =	sor.u32 $0xD0000000, s2;
	s6 =	simm.s32 $0x108;
	_ =	swait.ge @!p0 [sflag:s8], $0x0  }
0x24: {  	s3 =	sadd.s32 $0x88, s3;
	s6 =	simm.s32 @!p1 $0x1082;
	[sflag:s4] =	ssyncset.s32 $0xFFFFF086  }
0x25: {  	[simem:s6], [sflag:s4] =	dma.local [hbm:s3], $0xF7A  }
0x26: {  	[smem:$0x3F9F] =	sst s1;
	(tag) =	ssettag s2;
	_ =	strace s9  }
0x27: {  	s1 =	sld [smem:$0x3FAF]  }
0x28: {  	s2 =	sld [smem:$0x3FB0]  }
0x29: {  	s4 =	sld [smem:$0x3FB2]  }
0x2a: {  	p0 =	seq.s32 s5, $0x0;
	s5 =	sld [smem:$0x3FB3]  }
0x2b: {  	s6 =	sld [smem:$0x3FB4]  }
0x2c: {  	s7 =	sld [smem:$0x3FB5]  }
0x2d: {  	s3 =	simm.s32 $0x108;
	s8 =	sld [smem:$0x3FB6]  }
0x2e: {  	s3 =	simm.s32 @!p0 $0x1082;
	s9 =	sld [smem:$0x3FB7]  }
0x2f: {  	lr =	sadd.s32 s0, s3;
	s0 =	sld [smem:$0x3FAE]  }
0x30: {  	s3 =	sld [smem:$0x3FB1]  }
0x31: {  	[smem:$0x3FBA] =	sst s10  }
0x32: {  	s10 =	sld [smem:$0x3FB8];
	_ =	sdelay $0x3  }
0x33: {  	p0 =	seq.s32 s10, $0x1;
	s10 =	sld [smem:$0x3FBA];
	_ =	sdelay $0x3  }
0x34: {  	[smem:$0x3FBA] =	sst s10  }
0x35: {  	s10 =	sld [smem:$0x3FB9];
	_ =	sdelay $0x3  }
0x36: {  	p1 =	seq.s32 s10, $0x1;
	s10 =	sld [smem:$0x3FBA];
	_ =	sdelay $0x3  }
0x37: {  	[smem:$0x3FBA] =	sst s10  }
0x38: {  	s10 =	sld [smem:$0x3FBB]  }
0x39: {  	_ = 	snop;
	(pc) =	sbr.ind lr, $3  }
0x3a: {  	_ = 	snop  }
0x3b: {  	_ = 	snop  }
0x3c: {  	p2 =	seq.s32 s10, $0x1;
	s10 =	sld [smem:$0x3FBA]  }
0x3d: {  	_ =	shalt  }
0x3e: {  	_ =	shalt  }
0x3f: {  	_ =	shalt  }
0x40: {  	_ =	shalt  }
0x41: {  	_ =	shalt  }
0x42: {  	_ =	shalt  }
0x43: {  	_ =	shalt  }
0x44: {  	_ =	shalt  }
0x45: {  	_ =	shalt  }
0x46: {  	_ =	shalt  }
0x47: {  	_ =	shalt  }
0x48: {  	_ =	shalt  }
0x49: {  	_ =	shalt  }
0x4a: {  	_ =	shalt  }
0x4b: {  	_ =	shalt  }
0x4c: {  	_ =	shalt  }
0x4d: {  	_ =	shalt  }
0x4e: {  	_ =	shalt  }
0x4f: {  	_ =	shalt  }
0x50: {  	_ =	shalt  }
0x51: {  	_ =	shalt  }
0x52: {  	_ =	shalt  }
0x53: {  	_ =	shalt  }
0x54: {  	_ =	shalt  }
0x55: {  	_ =	shalt  }
0x56: {  	_ =	shalt  }
0x57: {  	_ =	shalt  }
0x58: {  	_ =	shalt  }
0x59: {  	_ =	shalt  }
0x5a: {  	_ =	shalt  }
0x5b: {  	_ =	shalt  }
0x5c: {  	_ =	shalt  }
0x5d: {  	_ =	shalt  }
0x5e: {  	_ =	shalt  }
0x5f: {  	_ =	shalt  }
0x60: {  	_ =	shalt  }
0x61: {  	_ =	shalt  }
0x62: {  	_ =	shalt  }
0x63: {  	_ =	shalt  }
0x64: {  	_ =	shalt  }
0x65: {  	_ =	shalt  }
0x66: {  	_ =	shalt  }
0x67: {  	_ =	shalt  }
0x68: {  	_ =	shalt  }
0x69: {  	_ =	shalt  }
0x6a: {  	_ =	shalt  }
0x6b: {  	_ =	shalt  }
0x6c: {  	_ =	shalt  }
0x6d: {  	_ =	shalt  }
0x6e: {  	_ =	shalt  }
0x6f: {  	_ =	shalt  }
0x70: {  	_ =	shalt  }
0x71: {  	_ =	shalt  }
0x72: {  	_ =	shalt  }
0x73: {  	_ =	shalt  }
0x74: {  	_ =	shalt  }
0x75: {  	_ =	shalt  }
0x76: {  	_ =	shalt  }
0x77: {  	_ =	shalt  }
0x78: {  	_ =	shalt  }
0x79: {  	_ =	shalt  }
0x7a: {  	_ =	shalt  }
0x7b: {  	_ =	shalt  }
0x7c: {  	_ =	shalt  }
0x7d: {  	_ =	shalt  }
0x7e: {  	_ =	shalt  }
0x7f: {  	_ =	shalt  }
0x80: {  	_ =	shalt  }
0x81: {  	_ =	shalt  }
0x82: {  	_ =	shalt  }
0x83: {  	_ =	shalt  }
0x84: {  	_ =	shalt  }
0x85: {  	_ =	shalt  }
0x86: {  	_ =	shalt  }
0x87: {  	_ =	shalt  }
.Lfunc_end0:
.L_simem_size_0:
called_computation_lowered:
.L_overlay_start_0:
0x88: {  	s2 =	sld [smem:$0x3FD9]  }
0x89: {  	s3 =	sld [smem:$0x3FFE];
	_ =	sdelay $0x1  }
0x8a: {  	s1 =	srdreg.scid  }
0x8b: {  	s0 =	sand.u32 $0x1, s1  }
0x8c: {  	s17 =	sshll.u32 s0, $0xA;
	s2 =	sadd.s32 s3, s2  }
0x8d: {  	s2 =	sadd.s32 s2, s17  }
0x8e: {  	[smem:$0x3FC6] =	sst s2  }
0x8f: {  	_ = 	snop  }
0x90: {  	s2 =	sld [smem:$0x3FD0];
	(tm) =	ssettm $0x1  }
0x91: {  	s18 =	sld [smem:$0x3FFB];
	_ =	sdelay $0x3  }
0x92: {  	_ =	strace s18  }
0x93: {  	s3 =	sld [smem:$0x3FFC];
	_ =	sdelay $0x3  }
0x94: {  	_ =	strace s3  }
0x95: {  	s3 =	sld [smem:$0x3FFD];
	_ =	sdelay $0x3  }
0x96: {  	_ =	strace s3  }
0x97: {  	_ =	strace $0x8FFFFFFF  }
0x98: {  	s19 =	sld [smem:$0x3FDB];
	_ =	sdelay $0x1  }
0x99: {  	s4 =	simm.s32 $_scs_section_size  }
0x9a: {  	s5 =	simm.s32 $_size__tile_overlayer_lowered;
	s6 =	simm.s32 $_tile_overlayer_lowered  }
0x9b: {  	s22 =	simm.s32 $0x1BFF;
	s21 =	sshll.u32 s6, $0x1;
	s3 =	sadd.s32 s4, s19  }
0x9c: {  	s7 =	simm.s32 $0x0;
	s20 =	sshll.u32 s5, $0x1;
	s5 =	sadd.s32 s21, s3  }
0x9d: {  	[timem:s7], [sflag:s22] =	dma.local [hbm:s5], s20  }
0x9e: {  	_ =	swait.ge [sflag:s22], s20  }
0x9f: {  	s4 =	ssub.s32 $0x0, s20;
	[sflag:s22] =	ssyncset.done $0x0  }
0xa0: {  	[sflag:s22] =	ssyncadd.s32 s4;
	_ =	sdelay $0x1  }
0xa1: {  	s23 =	simm.s32 $0x1B8B  }
0xa2: {  	_ =	swait.ge [sflag:s23], $0x1  }
0xa3: {  	[sflag:s23] =	ssyncset.done $0x0  }
0xa4: {  	s25 =	simm.s32 $0x1B8E;
	s24 =	sld [smem:$0x3FFE];
	[sflag:s23] =	ssyncadd.s32 $0xFFFFFFFF  }
0xa5: {  	s26 =	simm.s32 $execute0_lowered;
	[smem:$0x3FD2] =	sst s25  }
0xa6: {  	s5 =	sshll.u32 s26, $0x1;
	_ =	strace $0x80000046;
	[dreg:$0x1] =	wrdreg $0xFFFFFFFF  }
0xa7: {  	s28 =	simm.s32 $_size_execute0_lowered;
	s3 =	sadd.s32 s3, s5;
	[dreg:$0x0] =	wrdreg $0x0  }
0xa8: {  	s5 =	sshll.u32 s28, $0x1;
	[dreg:$0x2] =	wrdreg s3  }
0xa9: {  	[dreg:$0x3] =	wrdreg s5  }
0xaa: {  	[dreg:$0x4] =	wrdreg $0xC0  }
0xab: {  	_ =	task [dreg:s7], $0x5FFFF  }
0xac: {  	[dreg:$0x1] =	wrdreg $0xFFFFFFFF  }
0xad: {  	[dreg:$0x0] =	wrdreg $0x60  }
0xae: {  	[dreg:$0x2] =	wrdreg s24  }
0xaf: {  	[dreg:$0x3] =	wrdreg s2  }
0xb0: {  	[dreg:$0x4] =	wrdreg $0x9  }
0xb1: {  	_ =	task.clear_ibuf [dreg:s7], $0x5FFFF;
	_ =	strace $0x90000046  }
0xb2: {  	s29 =	simm.s32 $0x9;
	_ =	strace $0x8000004F  }
0xb3: {  	_ =	swait.ge [sflag:s29], $0x1  }
0xb4: {  	[sflag:s29] =	ssyncadd.s32 $0xFFFFFFFF  }
0xb5: {  	_ =	strace $0x9000004F  }
0xb6: {  	_ =	sfence  }
0xb7: {  	s30 =	sld [smem:$0x0];
	_ =	sdelay $0x2  }
0xb8: {  	s31 =	sshll.u32 s1, $0xD;
	s1 =	sshrl.u32 s1, $0x2  }
0xb9: {  	s3 =	sand.u32 $0x4000, s31;
	s1 =	sadd.s32 s1, s30  }
0xba: {  	s0 =	sor.u32 s3, s0;
	s1 =	sshll.u32 s1, $0x11  }
0xbb: {  	s0 =	sor.u32 s1, s0  }
0xbc: {  	s0 =	sadd.s32 $0x8F2B, s0  }
0xbd: {  	[sflag:s0] =	ssyncadd.remote.s32 $0x1  }
0xbe: {  	_ =	sfence.sel $0xFFFF  }
0xbf: {  	[dreg:$0x0] =	wrdreg $0xFFFFFFFF;
	(pc) =	sbr.abs _section_cstart, $3  }
0xc0: {  	[dreg:$0x1] =	wrdreg $0xFFFFFFFF  }
0xc1: {  	_ =	task.clear_ibuf [dreg:s7], $0x2FFFF;
	_ =	strace $0x9FFFFFFF  }
0xc2: {  	(tm) =	ssettm $0x7FFFFFFF  }
0xc3: {  	_ =	shalt  }
tec
execute0_lowered:
.L_overlay_start_1:
0x0: {  	(tag) =	ssettag $0x1  }
0x1: {  	s5 =	rddreg [dreg:$0x0]  }
0x2: {  	s1 =	rddreg [dreg:$0x1]  }
0x3: {  	s0 =	rddreg [dreg:$0x2];
	s2 =	simm.s32 $0x0  }
0x4: {  	s3 =	srdreg.scid;
	s10 =	simm.s32 $0x4;
	s11 =	simm.s32 $0x0  }
0x5: {  	[smem:$0x7FF] =	sst s2;
	s6 =	sand.u32 $0x1, s3;
	s3 =	stileid.u32  }
0x6: {  	s4 =	sadd.s32 $0x400, s5;
	s7 =	sshll.u32 s6, $0x4;
	s6 =	ssub.s32 $0x2, s6  }
0x7: {  	s5 =	sadd.s32 $0x400400, s5;
	s7 =	sor.u32 s3, s7;
	s8 =	sshrl.u32 s6, $0x1  }
0x8: {  	_ =	strace $0x80000047;
	s9 =	smul.u32 $0xC80, s7;
	s8 =	ssub.s32 s6, s8  }
0x9: {  	[dreg:$0x3] =	wrdreg s5;
	s5 =	smul.u32 $0x19, s7;
	s7 =	smax.u32 s8, $0x1  }
0xa: {  	s8 =	simm.s32 $0x1;
	s6 =	sadd.s32 s1, s9;
	s9 =	simm.s32 $0x80  }
.LBB2_1:
0xb: {  	_ =	strace $0x80000048;
	s12 =	simm.s32 $0x1;
	p0 =	por $0x0, $0x0  }
0xc: {  	[tilespmem:s2], [sflag:$0x2] =	stream.linear.gather [hbm4b:s6+s2], $0x400, $0x200038;
	[tilespmem:$0x10800] =	vst v63  }
0xd: {  	s12 =	simm.s32 @p0 $0x0  }
0xe: {  	p1 =	por $0x1, $0x1;
	p0 =	sne.s32 s12, $0x0  }
0xf: {  	p1 =	por !p1, !p0  }
0x10: {  	p1 =	por !p1, !p1  }
0x11: {  	s13 =	sadd.s32 @p1 s5, s12  }
0x12: {  	_ =	strace $0x90000048;
	s14 =	sand.u32 @p1 $0x1, s8;
	s13 =	sshll.u32 @p1 s13, $0x7  }
0x13: {  	s15 =	simm.s32 @p1 $0x0;
	_ =	strace @p1 $0x80000049;
	s13 =	sand.u32 @p1 $0x1FFFFF80, s13  }
0x14: {  	s16 =	sshll.u32 @p1 s14, $0xA;
	s14 =	sor.u32 @p1 $0x2, s14;
	s13 =	sadd.s32 @p1 s1, s13  }
0x15: {  	[tilespmem:s16], [sflag:s14] =	stream.linear.gather @p1 [hbm4b:s13+s15], $0x400, $0x200038;
	[tilespmem:$0x10800] =	vst v63  }
0x16: {  	s18 =	sand.u32 $0x1, s2;
	_ =	strace @p1 $0x90000049  }
0x17: {  	s16 =	sor.u32 $0x2, s18;
	_ =	strace $0x8000004A  }
0x18: {  	_ =	swait.ge [sflag:s16], $0x400  }
0x19: {  	[sflag:s16] =	ssyncset.done $0x0  }
0x1a: {  	[sflag:s16] =	ssyncadd.s32 $0xFFFFFC00  }
0x1b: {  	s17 =	simm.s32 $0x0;
	s14 =	sshll.u32 s18, $0xF;
	_ =	strace $0x9000004A  }
0x1c: {  	s13 =	sand.u32 $0x400, s17;
	s15 =	sor.u32 $0x800, s14;
	_ =	strace $0x8000004B  }
0x1d: {  	[tilespmem:s15], [sflag:$0x1] =	stream.indirect.gather [hbm4b:s4+s9], $0x20, s13, s9, $0x2000b8;
	[tilespmem:$0x10800] =	vst v63  }
0x1e: {  	s19 =	sor.u32 $0x1800, s14;
	s17 =	sor.u32 $0x80, s13  }
0x1f: {  	[tilespmem:s19], [sflag:$0x1] =	stream.indirect.gather [hbm4b:s4+s9], $0x20, s17, s9, $0x2000b8;
	[tilespmem:$0x10800] =	vst v63  }
0x20: {  	s20 =	sor.u32 $0x2800, s14;
	s21 =	sor.u32 $0x100, s13  }
0x21: {  	[tilespmem:s20], [sflag:$0x1] =	stream.indirect.gather [hbm4b:s4+s9], $0x20, s21, s9, $0x2000b8;
	[tilespmem:$0x10800] =	vst v63  }
0x22: {  	s22 =	sor.u32 $0x3800, s14;
	s23 =	sor.u32 $0x180, s13  }
0x23: {  	[tilespmem:s22], [sflag:$0x1] =	stream.indirect.gather [hbm4b:s4+s9], $0x20, s23, s9, $0x2000b8;
	[tilespmem:$0x10800] =	vst v63  }
0x24: {  	s24 =	sor.u32 $0x4800, s14;
	s25 =	sor.u32 $0x200, s13  }
0x25: {  	[tilespmem:s24], [sflag:$0x1] =	stream.indirect.gather [hbm4b:s4+s9], $0x20, s25, s9, $0x2000b8;
	[tilespmem:$0x10800] =	vst v63  }
0x26: {  	s26 =	sor.u32 $0x5800, s14;
	s29 =	sor.u32 $0x280, s13  }
0x27: {  	[tilespmem:s26], [sflag:$0x1] =	stream.indirect.gather [hbm4b:s4+s9], $0x20, s29, s9, $0x2000b8;
	[tilespmem:$0x10800] =	vst v63  }
0x28: {  	s30 =	sor.u32 $0x6800, s14;
	s31 =	sor.u32 $0x300, s13  }
0x29: {  	[tilespmem:s30], [sflag:$0x1] =	stream.indirect.gather [hbm4b:s4+s9], $0x20, s31, s9, $0x2000b8;
	[tilespmem:$0x10800] =	vst v63  }
0x2a: {  	s14 =	sor.u32 $0x7800, s14;
	s13 =	sor.u32 $0x380, s13  }
0x2b: {  	[tilespmem:s14], [sflag:$0x1] =	stream.indirect.gather [hbm4b:s4+s9], $0x20, s13, s9, $0x2000b8;
	[tilespmem:$0x10800] =	vst v63  }
0x2c: {  	_ =	swait.ge [sflag:s8], $0x1000  }
0x2d: {  	[sflag:s8] =	ssyncset.done $0x0  }
0x2e: {  	[sflag:s8] =	ssyncadd.s32 $0xFFFFF000  }
0x2f: {  	_ =	swait.ge [sflag:s8], $0x1000  }
0x30: {  	[sflag:s8] =	ssyncset.done $0x0  }
0x31: {  	[sflag:s8] =	ssyncadd.s32 $0xFFFFF000  }
0x32: {  	_ =	swait.ge [sflag:s8], $0x1000  }
0x33: {  	[sflag:s8] =	ssyncset.done $0x0  }
0x34: {  	[sflag:s8] =	ssyncadd.s32 $0xFFFFF000  }
0x35: {  	_ =	swait.ge [sflag:s8], $0x1000  }
0x36: {  	[sflag:s8] =	ssyncset.done $0x0  }
0x37: {  	p2 =	por $0x1, $0x1;
	p3 =	por $0x0, $0x0;
	[sflag:s8] =	ssyncadd.s32 $0xFFFFF000  }
0x38: {  	p4 =	por $0x0, $0x0;
	p6 =	por $0x1, $0x1;
	_ =	swait.ge [sflag:s8], $0x1000  }
0x39: {  	p5 =	por p3, p0;
	s16 =	simm.s32 $0x17;
	[sflag:s8] =	ssyncset.done $0x0  }
0x3a: {  	s19 =	sadd.s32 $0x1, s12;
	s20 =	sadd.s32 $0x0, s5;
	[sflag:s8] =	ssyncadd.s32 $0xFFFFF000  }
0x3b: {  	s21 =	sshll.u32 @p5 s20, $0xC;
	s22 =	simm.s32 $0x1;
	_ =	swait.ge [sflag:s8], $0x1000  }
0x3c: {  	s20 =	simm.s32 $0x0;
	s22 =	simm.s32 @!p5 $0x0;
	[sflag:s8] =	ssyncset.done $0x0  }
0x3d: {  	s25 =	sor.u32 @p5 $0x4, s18;
	s14 =	simm.s32 $0x1;
	[sflag:s8] =	ssyncadd.s32 $0xFFFFF000  }
0x3e: {  	s14 =	simm.s32 @!p1 $0x0;
	p1 =	por p2, p2;
	_ =	swait.ge [sflag:s8], $0x1000  }
0x3f: {  	s17 =	sadd.s32 $0x1, s14;
	s14 =	sand.u32 @!p2 $0x1, s2;
	[sflag:s8] =	ssyncset.done $0x0  }
0x40: {  	s24 =	sor.u32 @!p1 $0x4, s14;
	s14 =	simm.s32 $0x1;
	[sflag:s8] =	ssyncadd.s32 $0xFFFFF000  }
0x41: {  	s14 =	simm.s32 @!p4 $0x0;
	p4 =	seq.s32 s19, $0x19;
	_ =	swait.ge [sflag:s8], $0x1000  }
0x42: {  	s18 =	simm.s32 $0x0;
	s19 =	simm.s32 @p4 $0x0;
	[sflag:s8] =	ssyncset.done $0x0  }
0x43: {  	s13 =	simm.s32 $0x18;
	p0 =	sne.s32 s12, s19;
	[sflag:s8] =	ssyncadd.s32 $0xFFFFF000  }
0x44: {  	p2 =	por $0x0, $0x0;
	p3 =	por !p6, !p0;
	_ =	strace $0x9000004B  }
0x45: {  	s14 =	sadd.s32 $0x0, s14;
	p4 =	por !p3, !p3;
	_ =	strace @p5 $0x8000004C  }
0x46: {  	s23 =	sand.u32 @p4 $0x1, s17;
	s28 =	sadd.s32 @p4 s5, s19;
	s26 =	rddreg [dreg:$0x3]  }
.LBB2_2:
0x47: {  	s29 =	sand.u32 @p5 $0x1FFFF000, s21;
	s18 =	sadd.s32 s22, s18  }
0x48: {  	s30 =	simm.s32 @p5 $0x0;
	s20 =	sadd.s32 s22, s20;
	s22 =	sadd.s32 @p5 s26, s29  }
0x49: {  	[hbm4b:s22+s30] =	stream.linear.scatter @p5 [tilespmem:s15], [sflag:s25], $0x8000, $0x200038;
	[tilespmem:$0x10800] =	vst v63  }
0x4a: {  	_ =	strace @p5 $0x9000004C  }
0x4b: {  	_ =	strace @!p1 $0x8000004D  }
0x4c: {  	s28 =	sshll.u32 @p4 s28, $0x7;
	_ =	swait.ge @!p1 [sflag:s24], $0x8000  }
0x4d: {  	s28 =	sand.u32 @p4 $0x1FFFFF80, s28;
	s15 =	simm.s32 $0x1;
	[sflag:s24] =	ssyncset.done @!p1 $0x0  }
0x4e: {  	s28 =	sadd.s32 @p4 s1, s28;
	s15 =	simm.s32 @!p4 $0x0;
	[sflag:s24] =	ssyncadd.s32 @!p1 $0xFFFF8000  }
0x4f: {  	s17 =	sadd.s32 s15, s17;
	s15 =	simm.s32 @p4 $0x0;
	_ =	strace @!p1 $0x9000004D  }
0x50: {  	s24 =	sshll.u32 @p4 s23, $0xA;
	s23 =	sor.u32 @p4 $0x2, s23;
	_ =	strace @p4 $0x80000049  }
0x51: {  	[tilespmem:s24], [sflag:s23] =	stream.linear.gather @p4 [hbm4b:s28+s15], $0x400, $0x200038;
	[tilespmem:$0x10800] =	vst v63  }
0x52: {  	s31 =	sand.u32 $0x1, s20;
	_ =	strace @p4 $0x90000049  }
0x53: {  	s26 =	sor.u32 $0x2, s31;
	_ =	strace $0x8000004A  }
0x54: {  	_ =	swait.ge [sflag:s26], $0x400  }
0x55: {  	[sflag:s26] =	ssyncset.done $0x0  }
0x56: {  	s23 =	sand.u32 $0x1, s18;
	[sflag:s26] =	ssyncadd.s32 $0xFFFFFC00  }
0x57: {  	s30 =	sshll.u32 s20, $0xA;
	s24 =	sshll.u32 s23, $0xF;
	_ =	strace $0x9000004A  }
0x58: {  	s25 =	sand.u32 $0x400, s30;
	s15 =	sor.u32 $0x800, s24;
	_ =	strace $0x8000004B  }
0x59: {  	[tilespmem:s15], [sflag:$0x1] =	stream.indirect.gather [hbm4b:s4+s9], $0x20, s25, s9, $0x2000b8;
	[tilespmem:$0x10800] =	vst v63  }
0x5a: {  	s28 =	sor.u32 $0x80, s25;
	s29 =	sor.u32 $0x1800, s24  }
0x5b: {  	[tilespmem:s29], [sflag:$0x1] =	stream.indirect.gather [hbm4b:s4+s9], $0x20, s28, s9, $0x2000b8;
	[tilespmem:$0x10800] =	vst v63  }
0x5c: {  	s30 =	sor.u32 $0x2800, s24;
	s28 =	sor.u32 $0x100, s25  }
0x5d: {  	[tilespmem:s30], [sflag:$0x1] =	stream.indirect.gather [hbm4b:s4+s9], $0x20, s28, s9, $0x2000b8;
	[tilespmem:$0x10800] =	vst v63  }
0x5e: {  	s31 =	sor.u32 $0x3800, s24;
	s28 =	sor.u32 $0x180, s25  }
0x5f: {  	[tilespmem:s31], [sflag:$0x1] =	stream.indirect.gather [hbm4b:s4+s9], $0x20, s28, s9, $0x2000b8;
	[tilespmem:$0x10800] =	vst v63  }
0x60: {  	s29 =	sor.u32 $0x4800, s24;
	s28 =	sor.u32 $0x200, s25  }
0x61: {  	[tilespmem:s29], [sflag:$0x1] =	stream.indirect.gather [hbm4b:s4+s9], $0x20, s28, s9, $0x2000b8;
	[tilespmem:$0x10800] =	vst v63  }
0x62: {  	s30 =	sor.u32 $0x5800, s24;
	s28 =	sor.u32 $0x280, s25  }
0x63: {  	[tilespmem:s30], [sflag:$0x1] =	stream.indirect.gather [hbm4b:s4+s9], $0x20, s28, s9, $0x2000b8;
	[tilespmem:$0x10800] =	vst v63  }
0x64: {  	s31 =	sor.u32 $0x6800, s24;
	s28 =	sor.u32 $0x300, s25  }
0x65: {  	[tilespmem:s31], [sflag:$0x1] =	stream.indirect.gather [hbm4b:s4+s9], $0x20, s28, s9, $0x2000b8;
	[tilespmem:$0x10800] =	vst v63  }
0x66: {  	s24 =	sor.u32 $0x7800, s24;
	s25 =	sor.u32 $0x380, s25  }
0x67: {  	[tilespmem:s24], [sflag:$0x1] =	stream.indirect.gather [hbm4b:s4+s9], $0x20, s25, s9, $0x2000b8;
	[tilespmem:$0x10800] =	vst v63  }
0x68: {  	_ =	swait.ge [sflag:s8], $0x1000  }
0x69: {  	[sflag:s8] =	ssyncset.done $0x0  }
0x6a: {  	[sflag:s8] =	ssyncadd.s32 $0xFFFFF000  }
0x6b: {  	_ =	swait.ge [sflag:s8], $0x1000  }
0x6c: {  	[sflag:s8] =	ssyncset.done $0x0  }
0x6d: {  	[sflag:s8] =	ssyncadd.s32 $0xFFFFF000  }
0x6e: {  	_ =	swait.ge [sflag:s8], $0x1000  }
0x6f: {  	[sflag:s8] =	ssyncset.done $0x0  }
0x70: {  	[sflag:s8] =	ssyncadd.s32 $0xFFFFF000  }
0x71: {  	_ =	swait.ge [sflag:s8], $0x1000  }
0x72: {  	[sflag:s8] =	ssyncset.done $0x0  }
0x73: {  	[sflag:s8] =	ssyncadd.s32 $0xFFFFF000  }
0x74: {  	s21 =	smov.u32 s13;
	s13 =	smov.u32 s16;
	_ =	swait.ge [sflag:s8], $0x1000  }
0x75: {  	s16 =	sadd.s32 $0xFFFFFFFF, s16;
	p6 =	seq.s32 s21, $0x1;
	[sflag:s8] =	ssyncset.done $0x0  }
0x76: {  	p5 =	sne.s32 s21, $0x19;
	s21 =	simm.s32 $0x1;
	[sflag:s8] =	ssyncadd.s32 $0xFFFFF000  }
0x77: {  	p3 =	sne.s32 s16, $0x0;
	s21 =	simm.s32 @!p5 $0x0;
	_ =	swait.ge [sflag:s8], $0x1000  }
0x78: {  	s22 =	sand.u32 @!p2 $0x1, s14;
	s14 =	sadd.s32 s21, s14;
	[sflag:s8] =	ssyncset.done $0x0  }
0x79: {  	p1 =	por p2, p2;
	s26 =	sadd.s32 s5, s12;
	[sflag:s8] =	ssyncadd.s32 $0xFFFFF000  }
0x7a: {  	s12 =	smov.u32 s19;
	s19 =	sadd.s32 $0x1, s19;
	_ =	swait.ge [sflag:s8], $0x1000  }
0x7b: {  	p2 =	seq.s32 s13, $0x19;
	p5 =	seq.s32 s19, $0x19;
	[sflag:s8] =	ssyncset.done $0x0  }
0x7c: {  	s19 =	simm.s32 @p5 $0x0;
	p5 =	por p6, p0;
	[sflag:s8] =	ssyncadd.s32 $0xFFFFF000  }
0x7d: {  	p6 =	sne.s32 s13, $0x1;
	p0 =	sne.s32 s12, s19;
	_ =	swait.ge [sflag:s8], $0x1000  }
.Ltmp0:
0x7e: {  	p4 =	por !p6, !p0;
	[sflag:s8] =	ssyncset.done $0x0;
	(pc) =	sbr.rel @p3 .LBB2_2-.Ltmp0, $4  }
0x7f: {  	s21 =	sshll.u32 @p5 s26, $0xC;
	p4 =	por !p4, !p4;
	[sflag:s8] =	ssyncadd.s32 $0xFFFFF000  }
0x80: {  	s28 =	sadd.s32 @p4 s5, s19;
	s24 =	sor.u32 @!p1 $0x4, s22;
	_ =	strace $0x9000004B  }
0x81: {  	s25 =	sor.u32 @p5 $0x4, s23;
	s22 =	simm.s32 $0x1;
	_ =	strace @p5 $0x8000004C  }
0x82: {  	s23 =	sand.u32 @p4 $0x1, s17;
	s22 =	simm.s32 @!p5 $0x0;
	s26 =	rddreg [dreg:$0x3]  }
0x83: {  	s16 =	sand.u32 @p5 $0x1FFFF000, s21  }
0x84: {  	s17 =	simm.s32 @p5 $0x0;
	s16 =	sadd.s32 @p5 s26, s16  }
0x85: {  	[hbm4b:s16+s17] =	stream.linear.scatter @p5 [tilespmem:s15], [sflag:s25], $0x8000, $0x200038;
	[tilespmem:$0x10800] =	vst v63  }
0x86: {  	_ =	strace @p5 $0x9000004C  }
0x87: {  	_ =	strace @!p1 $0x8000004D  }
0x88: {  	_ =	swait.ge @!p1 [sflag:s24], $0x8000  }
0x89: {  	s19 =	sshll.u32 @p4 s23, $0xA;
	[sflag:s24] =	ssyncset.done @!p1 $0x0  }
0x8a: {  	s26 =	sadd.s32 s22, s20;
	s15 =	sshll.u32 @p4 s28, $0x7;
	[sflag:s24] =	ssyncadd.s32 @!p1 $0xFFFF8000  }
0x8b: {  	s20 =	sor.u32 @p4 $0x2, s23;
	s15 =	sand.u32 @p4 $0x1FFFFF80, s15;
	_ =	strace @!p1 $0x9000004D  }
0x8c: {  	s17 =	simm.s32 @p4 $0x0;
	s15 =	sadd.s32 @p4 s1, s15;
	_ =	strace @p4 $0x80000049  }
0x8d: {  	[tilespmem:s19], [sflag:s20] =	stream.linear.gather @p4 [hbm4b:s15+s17], $0x400, $0x200038;
	[tilespmem:$0x10800] =	vst v63  }
0x8e: {  	s28 =	sand.u32 $0x1, s26;
	_ =	strace @p4 $0x90000049  }
0x8f: {  	s15 =	sor.u32 $0x2, s28;
	_ =	strace $0x8000004A  }
0x90: {  	_ =	swait.ge [sflag:s15], $0x400  }
0x91: {  	s29 =	sadd.s32 s22, s18;
	[sflag:s15] =	ssyncset.done $0x0  }
0x92: {  	[sflag:s15] =	ssyncadd.s32 $0xFFFFFC00;
	s15 =	sand.u32 $0x1, s29  }
0x93: {  	s16 =	sshll.u32 s26, $0xA;
	_ =	strace $0x9000004A;
	s17 =	sshll.u32 s15, $0xF  }
0x94: {  	s16 =	sand.u32 $0x400, s16;
	_ =	strace $0x8000004B;
	s18 =	sor.u32 $0x800, s17  }
0x95: {  	[tilespmem:s18], [sflag:$0x1] =	stream.indirect.gather [hbm4b:s4+s9], $0x20, s16, s9, $0x2000b8;
	[tilespmem:$0x10800] =	vst v63  }
0x96: {  	s31 =	sor.u32 $0x80, s16;
	s30 =	sor.u32 $0x1800, s17  }
0x97: {  	[tilespmem:s30], [sflag:$0x1] =	stream.indirect.gather [hbm4b:s4+s9], $0x20, s31, s9, $0x2000b8;
	[tilespmem:$0x10800] =	vst v63  }
0x98: {  	s22 =	sor.u32 $0x100, s16;
	s21 =	sor.u32 $0x2800, s17  }
0x99: {  	[tilespmem:s21], [sflag:$0x1] =	stream.indirect.gather [hbm4b:s4+s9], $0x20, s22, s9, $0x2000b8;
	[tilespmem:$0x10800] =	vst v63  }
0x9a: {  	s24 =	sor.u32 $0x180, s16;
	s23 =	sor.u32 $0x3800, s17  }
0x9b: {  	[tilespmem:s23], [sflag:$0x1] =	stream.indirect.gather [hbm4b:s4+s9], $0x20, s24, s9, $0x2000b8;
	[tilespmem:$0x10800] =	vst v63  }
0x9c: {  	s26 =	sor.u32 $0x200, s16;
	s25 =	sor.u32 $0x4800, s17  }
0x9d: {  	[tilespmem:s25], [sflag:$0x1] =	stream.indirect.gather [hbm4b:s4+s9], $0x20, s26, s9, $0x2000b8;
	[tilespmem:$0x10800] =	vst v63  }
0x9e: {  	s29 =	sor.u32 $0x280, s16;
	s28 =	sor.u32 $0x5800, s17  }
0x9f: {  	[tilespmem:s28], [sflag:$0x1] =	stream.indirect.gather [hbm4b:s4+s9], $0x20, s29, s9, $0x2000b8;
	[tilespmem:$0x10800] =	vst v63  }
0xa0: {  	s30 =	sor.u32 $0x6800, s17;
	s31 =	sor.u32 $0x300, s16  }
0xa1: {  	[tilespmem:s30], [sflag:$0x1] =	stream.indirect.gather [hbm4b:s4+s9], $0x20, s31, s9, $0x2000b8;
	[tilespmem:$0x10800] =	vst v63  }
0xa2: {  	s17 =	sor.u32 $0x7800, s17;
	s16 =	sor.u32 $0x380, s16  }
0xa3: {  	[tilespmem:s17], [sflag:$0x1] =	stream.indirect.gather [hbm4b:s4+s9], $0x20, s16, s9, $0x2000b8;
	[tilespmem:$0x10800] =	vst v63  }
0xa4: {  	_ =	swait.ge [sflag:s8], $0x1000  }
0xa5: {  	[sflag:s8] =	ssyncset.done $0x0  }
0xa6: {  	[sflag:s8] =	ssyncadd.s32 $0xFFFFF000  }
0xa7: {  	_ =	swait.ge [sflag:s8], $0x1000  }
0xa8: {  	[sflag:s8] =	ssyncset.done $0x0  }
0xa9: {  	[sflag:s8] =	ssyncadd.s32 $0xFFFFF000  }
0xaa: {  	_ =	swait.ge [sflag:s8], $0x1000  }
0xab: {  	[sflag:s8] =	ssyncset.done $0x0  }
0xac: {  	[sflag:s8] =	ssyncadd.s32 $0xFFFFF000  }
0xad: {  	_ =	swait.ge [sflag:s8], $0x1000  }
0xae: {  	[sflag:s8] =	ssyncset.done $0x0  }
0xaf: {  	[sflag:s8] =	ssyncadd.s32 $0xFFFFF000  }
0xb0: {  	_ =	swait.ge [sflag:s8], $0x1000  }
0xb1: {  	[sflag:s8] =	ssyncset.done $0x0  }
0xb2: {  	[sflag:s8] =	ssyncadd.s32 $0xFFFFF000  }
0xb3: {  	_ =	swait.ge [sflag:s8], $0x1000  }
0xb4: {  	[sflag:s8] =	ssyncset.done $0x0  }
0xb5: {  	[sflag:s8] =	ssyncadd.s32 $0xFFFFF000  }
0xb6: {  	_ =	swait.ge [sflag:s8], $0x1000  }
0xb7: {  	[sflag:s8] =	ssyncset.done $0x0  }
0xb8: {  	[sflag:s8] =	ssyncadd.s32 $0xFFFFF000  }
0xb9: {  	_ =	swait.ge [sflag:s8], $0x1000  }
0xba: {  	[sflag:s8] =	ssyncset.done $0x0  }
0xbb: {  	p6 =	seq.s32 s13, $0x1;
	[sflag:s8] =	ssyncadd.s32 $0xFFFFF000  }
0xbc: {  	s12 =	sadd.s32 s5, s12;
	p0 =	por p6, p0;
	_ =	strace $0x9000004B  }
0xbd: {  	s12 =	sshll.u32 @p0 s12, $0xC;
	_ =	strace @p0 $0x8000004C  }
0xbe: {  	s12 =	sand.u32 @p0 $0x1FFFF000, s12;
	s13 =	rddreg [dreg:$0x3]  }
0xbf: {  	s15 =	sor.u32 @p0 $0x4, s15;
	s16 =	simm.s32 @p0 $0x0;
	s12 =	sadd.s32 @p0 s13, s12  }
0xc0: {  	[hbm4b:s12+s16] =	stream.linear.scatter @p0 [tilespmem:s18], [sflag:s15], $0x8000, $0x200038;
	[tilespmem:$0x10800] =	vst v63  }
0xc1: {  	p1 =	por p2, p2;
	s12 =	sand.u32 @!p2 $0x1, s14;
	_ =	strace @p0 $0x9000004C  }
0xc2: {  	s12 =	sor.u32 @!p1 $0x4, s12;
	_ =	strace @!p1 $0x8000004D  }
0xc3: {  	_ =	swait.ge @!p1 [sflag:s12], $0x8000  }
0xc4: {  	[sflag:s12] =	ssyncset.done @!p1 $0x0  }
0xc5: {  	s11 =	sadd.s32 $0x1, s11;
	[sflag:s12] =	ssyncadd.s32 @!p1 $0xFFFF8000  }
0xc6: {  	p0 =	sne.s32 s11, s7;
	_ =	strace @!p1 $0x9000004D  }
.Ltmp1:
0xc7: {  	_ =	strace $0x8000004E;
	(pc) =	sbr.rel @p0 .LBB2_1-.Ltmp1, $4  }
0xc8: {  	_ =	swait.ge [sflag:s10], $0x8000  }
0xc9: {  	[sflag:s10] =	ssyncset.done $0x0  }
0xca: {  	[sflag:s10] =	ssyncadd.s32 $0xFFFF8000  }
0xcb: {  	_ =	strace $0x9000004E  }
0xcc: {  	_ =	sfence.sel $0x180000  }
0xcd: {  	[bflag:$0x0] =	sbarrier.arrive $0xFFFF  }
0xce: {  	p0 =	sne.s32 s3, $0x0;
	_ =	strace $0x90000047  }
0xcf: {  	s0 =	sadd.s32 @!p0 $0x100000, s0;
	[bflag:$0x2] =	sbarrier.arrive $0xFFFF  }
0xd0: {  	[sflag:s0] =	ssyncadd.tile.s32 @!p0 $0x1;
	_ =	shalt  }
.Lfunc_end2:
_tile_overlayer_lowered:
.L_overlay_start_2:
0xd1: {  	(tag) =	ssettag $0x2  }
0xd2: {  	s0 =	rddreg [dreg:$0x0];
	s2 =	stileid.u32  }
0xd3: {  	s1 =	rddreg [dreg:$0x1];
	p0 =	sne.s32 s2, $0x0  }
0xd4: {  	s3 =	rddreg [dreg:$0x2];
	[bflag:$0x3] =	sbarrier.arrive $0xFFFF;
	s2 =	simm.s32 @!p0 $0x1C02  }
0xd5: {  	[timem:s3], [sflag:s2] =	dma.local @!p0 [hbm:s0], s1  }
0xd6: {  	s0 =	simm.s32 @!p0 $0x2  }
0xd7: {  	_ =	swait.ge @!p0 [sflag:s0], s1  }
0xd8: {  	s1 =	ssub.s32 @!p0 $0x0, s1;
	[sflag:s0] =	ssyncset.done @!p0 $0x0  }
0xd9: {  	[sflag:s0] =	ssyncadd.s32 @!p0 s1  }
0xda: {  	[bflag:$0x3] =	sbarrier.arrive $0xFFFF  }
0xdb: {  	_ =	shalt  }

</sc_bundles>
